<compile_context>
chip_gen: v7x
topology: tpu7x:2x2x1
jax: 0.10.2.dev20260603
libtpu: 0.0.44.dev20260713+nightly
codegen_flags: <defaults>
</compile_context>

<pallas_src>
import functools

import jax
import jax.numpy as jnp
from jax import lax
from jax.experimental import pallas as pl
from jax.experimental.pallas import tpu as pltpu
from jax.experimental.pallas import tpu_sc as plsc

C = 256
HW = 65536
N = 16384
NC = 2
NS = 16
NW = NC * NS
COLS_PER_W = HW // NW
K_PER_W = N // NW
CHUNK = 128
N_CHUNKS = K_PER_W // CHUNK
JB = 512


def _gather16(a, i):
    dn = lax.GatherDimensionNumbers(
        offset_dims=(), collapsed_slice_dims=(0,), start_index_map=(0,))
    return lax.gather(a, i[:, None], dn, (1,),
                      mode=lax.GatherScatterMode.PROMISE_IN_BOUNDS)


def _tr_body(x_ref, o_ref):
    o_ref[...] = x_ref[...].T


def _transpose_keep(keep2):
    return pl.pallas_call(
        _tr_body,
        grid=(N // 256,),
        in_specs=[pl.BlockSpec((C, 256), lambda i: (0, i))],
        out_specs=pl.BlockSpec((256, C), lambda i: (i, 0)),
        out_shape=jax.ShapeDtypeStruct((N, C), jnp.float32),
    )(keep2)


def _winner_body(ign_hbm, w_hbm, flag_hbm, ign_v, w_v, flag_v):
    wid = lax.axis_index("s") * NC + lax.axis_index("c")
    lo = wid * COLS_PER_W
    pltpu.sync_copy(ign_hbm, ign_v)

    def zero_body(i, _):
        flag_v[pl.ds(i * 16, 16)] = jnp.zeros((16,), jnp.float32)
        w_v[pl.ds(i * 16, 16)] = jnp.zeros((16,), jnp.int32)
        return 0

    lax.fori_loop(0, COLS_PER_W // 16, zero_body, 0, unroll=False)

    iota = lax.iota(jnp.int32, 16)
    ones = jnp.ones((16,), jnp.float32)
    lane_masks = [iota == lane for lane in range(16)]

    def body(i, _):
        idx = ign_v[pl.ds(i * 16, 16)]
        k = i * 16 + iota
        inr = (idx >= lo) & (idx < lo + COLS_PER_W)
        loc = jnp.clip(idx - lo, 0, COLS_PER_W - 1)
        plsc.store_scatter(flag_v, [loc], ones, mask=inr)
        for lane in range(16):
            plsc.store_scatter(w_v, [loc], k, mask=inr & lane_masks[lane])
        return 0

    lax.fori_loop(0, N // 16, body, 0, unroll=False)
    pltpu.sync_copy(w_v, w_hbm.at[pl.ds(lo, COLS_PER_W)])
    pltpu.sync_copy(flag_v, flag_hbm.at[pl.ds(lo, COLS_PER_W)])


def _winner_call(ignore):
    mesh = plsc.VectorSubcoreMesh(core_axis_name="c", subcore_axis_name="s")
    f = pl.kernel(
        _winner_body,
        out_type=(
            jax.ShapeDtypeStruct((HW,), jnp.int32),
            jax.ShapeDtypeStruct((HW,), jnp.float32),
        ),
        mesh=mesh,
        scratch_types=[
            pltpu.VMEM((N,), jnp.int32),
            pltpu.VMEM((COLS_PER_W,), jnp.int32),
            pltpu.VMEM((COLS_PER_W,), jnp.float32),
        ],
        compiler_params=pltpu.CompilerParams(needs_layout_passes=False),
    )
    return f(ignore)


def _scatter_body(keep_t_hbm, ign_hbm, w_hbm, patch_hbm,
                  idx_v, wk_v, rows_v, sem):
    wid = lax.axis_index("s") * NC + lax.axis_index("c")
    pltpu.sync_copy(ign_hbm.at[wid], idx_v)
    for cnk in range(N_CHUNKS):
        idxc = idx_v.at[cnk]
        pltpu.async_copy(w_hbm.at[idxc], wk_v.at[cnk], sem).wait()
        pltpu.async_copy(keep_t_hbm.at[wk_v.at[cnk]], rows_v, sem).wait()
        pltpu.async_copy(rows_v, patch_hbm.at[idxc], sem).wait()


def _scatter_call(keep_t, ignore3, w):
    mesh = plsc.VectorSubcoreMesh(core_axis_name="c", subcore_axis_name="s")
    f = pl.kernel(
        _scatter_body,
        out_type=jax.ShapeDtypeStruct((HW, C), jnp.float32),
        mesh=mesh,
        scratch_types=[
            pltpu.VMEM((N_CHUNKS, CHUNK), jnp.int32),
            pltpu.VMEM((N_CHUNKS, CHUNK), jnp.int32),
            pltpu.VMEM((CHUNK, C), jnp.float32),
            pltpu.SemaphoreType.DMA,
        ],
        compiler_params=pltpu.CompilerParams(
            needs_layout_passes=False, use_tc_tiling_on_sc=True),
    )
    return f(keep_t, ignore3, w)


def _merge_body(n_ref, p_ref, f_ref, o_ref):
    f = f_ref[0]
    o_ref[...] = jnp.where(f != 0.0, p_ref[...].T, n_ref[...])


def _merge_call(normu2, patch, flag2):
    return pl.pallas_call(
        _merge_body,
        grid=(HW // JB,),
        in_specs=[
            pl.BlockSpec((C, JB), lambda j: (0, j)),
            pl.BlockSpec((JB, C), lambda j: (j, 0)),
            pl.BlockSpec((1, 1, JB), lambda j: (j, 0, 0)),
        ],
        out_specs=pl.BlockSpec((C, JB), lambda j: (0, j)),
        out_shape=jax.ShapeDtypeStruct((C, HW), jnp.float32),
    )(normu2, patch, flag2)


def kernel(normu, keep, ignore):
    normu2 = normu.reshape(C, HW)
    keep2 = keep.reshape(C, N)
    keep_t = _transpose_keep(keep2)
    w, flag = _winner_call(ignore)
    patch = _scatter_call(keep_t, ignore.reshape(NW, N_CHUNKS, CHUNK), w)
    out = _merge_call(normu2, patch, flag.reshape(HW // JB, 1, JB))
    return out.reshape(1, C, 256, 256)

# --- scband reference (transcript-rebuilt; emitter-appended) ---
"""Pipeline reference for scband-pars-29669634081535 (READ-ONLY COPY).

The authoritative reference and input builder live on the scoring server;
editing this copy changes nothing except your own understanding.
"""

import jax, jax.numpy as jnp
import numpy as np

SIDE_H = 4096
SIDE_W = 4096
C = 256
HW = (SIDE_H // 16) * (SIDE_W // 16)  # 65536
N_IGNORE = 16384


def setup_inputs(seed: int = 0) -> dict:
    key = jax.random.key(seed)
    k1, k2, k3 = jax.random.split(key, 3)
    normu = jax.random.normal(k1, (1, C, HW), dtype=jnp.float32)
    keep = jax.random.normal(k2, (1, C, N_IGNORE), dtype=jnp.float32)
    ignore = jax.random.randint(k3, (N_IGNORE,), 0, HW, dtype=jnp.int32)
    return {"normu": normu, "keep": keep, "ignore": ignore}


def reference(normu, keep, ignore):
    # Faithful translation of Pars.forward (inpaint branch):
    #   mask = ones_like(normu); mask[:, :, ignore] = 1  (no-op, kept for fidelity)
    #   normu = normu * mask
    #   normu.scatter_(2, ignore.expand(1, 256, -1), keep)  -> overwrite scatter along dim 2
    #   return normu.view(1, -1, sideH//16, sideW//16)
    mask = jnp.ones(normu.shape, dtype=normu.dtype)
    mask = mask.at[:, :, ignore].set(1.0)
    x = normu * mask
    x = x.at[:, :, ignore].set(keep)
    return x.reshape(1, -1, SIDE_H // 16, SIDE_W // 16)

if __name__ == "__main__":
    import jax
    _d = setup_inputs()
    print(jax.jit(kernel)(*tuple(_d.values())))

</pallas_src>

<mosaic_0001>
#map = affine_map<(d0, d1) -> (0, 0)>
#map1 = affine_map<(d0, d1) -> (0, 0, 0)>
#map2 = affine_map<(d0, d1) -> (0)>
module attributes {stable_mosaic.version = 14 : i64} {
  func.func @_scatter_body(%arg0: i32, %arg1: i32, %arg2: memref<16384x256xf32, #tpu.memory_space<hbm>>, %arg3: memref<32x4x128xi32, #tpu.memory_space<hbm>>, %arg4: memref<65536xi32, #tpu.memory_space<hbm>>, %arg5: memref<65536x256xf32, #tpu.memory_space<hbm>>, %arg6: memref<4x128xi32, #tpu.memory_space<vmem>>, %arg7: memref<4x128xi32, #tpu.memory_space<vmem>>, %arg8: memref<128x256xf32, #tpu.memory_space<vmem>>, %arg9: memref<!tpu.dma_semaphore, #tpu.memory_space<semaphore_mem>>) attributes {dimension_semantics = [#tpu.dimension_semantics<core_parallel>, #tpu.dimension_semantics<subcore_parallel>], iteration_bounds = array<i64: 2, 16>, scalar_prefetch = 0 : i64, scratch_operands = 4 : i64, tpu.core_type = #tpu.core_type<sc_vector_subcore>, window_params = [{transform_indices = #map}, {transform_indices = #map1}, {transform_indices = #map2}, {transform_indices = #map}]} {
    %mul3A = arith.constant 2 : i32
    %mul3A_0 = arith.muli %arg1, %mul3A : i32
    %add3A = arith.addi %mul3A_0, %arg0 : i32
    "tpu.region"() ({
      %run_scoped3A = tpu.sem_alloc : memref<!tpu.dma_semaphore, #tpu.memory_space<semaphore_mem>>
      %dma_start3A_191 = arith.constant 0 : i32
      %dma_start3A_192 = arith.constant 0 : i32
      %dma_start3A_193 = tpu.memref_slice %arg3[%add3A, %dma_start3A_191, %dma_start3A_192] : memref<32x4x128xi32, #tpu.memory_space<hbm>> -> memref<1x4x128xi32, #tpu.memory_space<hbm>>
      %dma_start3A_194 = tpu.memref_squeeze %dma_start3A_193 : memref<1x4x128xi32, #tpu.memory_space<hbm>> -> memref<4x128xi32, #tpu.memory_space<hbm>>
      %dma_start3A_195 = arith.constant 0 : i32
      %dma_start3A_196 = arith.constant 0 : i32
      %dma_start3A_197 = tpu.memref_slice %arg3[%add3A, %dma_start3A_195, %dma_start3A_196] : memref<32x4x128xi32, #tpu.memory_space<hbm>> -> memref<1x4x128xi32, #tpu.memory_space<hbm>>
      %dma_start3A_198 = tpu.memref_squeeze %dma_start3A_197 : memref<1x4x128xi32, #tpu.memory_space<hbm>> -> memref<4x128xi32, #tpu.memory_space<hbm>>
      tpu.enqueue_dma source(%dma_start3A_198 : memref<4x128xi32, #tpu.memory_space<hbm>>) target(%arg6 : memref<4x128xi32, #tpu.memory_space<vmem>>) target_semaphore(%run_scoped3A : memref<!tpu.dma_semaphore, #tpu.memory_space<semaphore_mem>>)
      %dma_wait3A_199 = arith.constant 0 : i32
      %dma_wait3A_200 = arith.constant 0 : i32
      %dma_wait3A_201 = tpu.memref_slice %arg3[%add3A, %dma_wait3A_199, %dma_wait3A_200] : memref<32x4x128xi32, #tpu.memory_space<hbm>> -> memref<1x4x128xi32, #tpu.memory_space<hbm>>
      %dma_wait3A_202 = tpu.memref_squeeze %dma_wait3A_201 : memref<1x4x128xi32, #tpu.memory_space<hbm>> -> memref<4x128xi32, #tpu.memory_space<hbm>>
      %dma_wait3A_203 = arith.constant 0 : i32
      %dma_wait3A_204 = arith.constant 0 : i32
      %dma_wait3A_205 = tpu.memref_slice %arg3[%add3A, %dma_wait3A_203, %dma_wait3A_204] : memref<32x4x128xi32, #tpu.memory_space<hbm>> -> memref<1x4x128xi32, #tpu.memory_space<hbm>>
      %dma_wait3A_206 = tpu.memref_squeeze %dma_wait3A_205 : memref<1x4x128xi32, #tpu.memory_space<hbm>> -> memref<4x128xi32, #tpu.memory_space<hbm>>
      tpu.wait_dma2 semaphore(%run_scoped3A : memref<!tpu.dma_semaphore, #tpu.memory_space<semaphore_mem>>) src(%dma_wait3A_206 : memref<4x128xi32, #tpu.memory_space<hbm>>) dst(%arg6 : memref<4x128xi32, #tpu.memory_space<vmem>>)
      tpu.yield
    }) : () -> ()
    %dma_start3A = arith.constant 0 : i32
    %dma_start3A_1 = arith.constant 0 : i32
    %dma_start3A_2 = arith.constant 0 : i32
    %dma_start3A_3 = tpu.memref_slice %arg7[%dma_start3A_1, %dma_start3A_2] : memref<4x128xi32, #tpu.memory_space<vmem>> -> memref<1x128xi32, #tpu.memory_space<vmem>>
    %dma_start3A_4 = tpu.memref_squeeze %dma_start3A_3 : memref<1x128xi32, #tpu.memory_space<vmem>> -> memref<128xi32, #tpu.memory_space<vmem>>
    %dma_start3A_5 = arith.constant 0 : i32
    %dma_start3A_6 = tpu.memref_slice %arg6[%dma_start3A, %dma_start3A_5] : memref<4x128xi32, #tpu.memory_space<vmem>> -> memref<1x128xi32, #tpu.memory_space<vmem>>
    %dma_start3A_7 = tpu.memref_squeeze %dma_start3A_6 : memref<1x128xi32, #tpu.memory_space<vmem>> -> memref<128xi32, #tpu.memory_space<vmem>>
    %dma_start3A_8 = arith.constant 0 : i32
    %dma_start3A_9 = tpu.memref_slice %arg4[%dma_start3A_8] : memref<65536xi32, #tpu.memory_space<hbm>> -> memref<65536xi32, #tpu.memory_space<hbm>>
    tpu.enqueue_indirect_dma source(%dma_start3A_9 : memref<65536xi32, #tpu.memory_space<hbm>>) target(%dma_start3A_4 : memref<128xi32, #tpu.memory_space<vmem>>) offsets(%dma_start3A_7 : memref<128xi32, #tpu.memory_space<vmem>>) semaphore(%arg9 : memref<!tpu.dma_semaphore, #tpu.memory_space<semaphore_mem>>)
    %dma_wait3A = arith.constant 0 : i32
    %dma_wait3A_10 = arith.constant 0 : i32
    %dma_wait3A_11 = arith.constant 0 : i32
    %dma_wait3A_12 = tpu.memref_slice %arg7[%dma_wait3A_10, %dma_wait3A_11] : memref<4x128xi32, #tpu.memory_space<vmem>> -> memref<1x128xi32, #tpu.memory_space<vmem>>
    %dma_wait3A_13 = tpu.memref_squeeze %dma_wait3A_12 : memref<1x128xi32, #tpu.memory_space<vmem>> -> memref<128xi32, #tpu.memory_space<vmem>>
    %dma_wait3A_14 = arith.constant 0 : i32
    %dma_wait3A_15 = tpu.memref_slice %arg6[%dma_wait3A, %dma_wait3A_14] : memref<4x128xi32, #tpu.memory_space<vmem>> -> memref<1x128xi32, #tpu.memory_space<vmem>>
    %dma_wait3A_16 = tpu.memref_squeeze %dma_wait3A_15 : memref<1x128xi32, #tpu.memory_space<vmem>> -> memref<128xi32, #tpu.memory_space<vmem>>
    %dma_wait3A_17 = arith.constant 0 : i32
    %dma_wait3A_18 = tpu.memref_slice %arg4[%dma_wait3A_17] : memref<65536xi32, #tpu.memory_space<hbm>> -> memref<65536xi32, #tpu.memory_space<hbm>>
    tpu.wait_indirect_dma semaphore(%arg9 : memref<!tpu.dma_semaphore, #tpu.memory_space<semaphore_mem>>) src(%dma_wait3A_18 : memref<65536xi32, #tpu.memory_space<hbm>>) dst(%dma_wait3A_13 : memref<128xi32, #tpu.memory_space<vmem>>)
    %dma_start3A_19 = arith.constant 0 : i32
    %dma_start3A_20 = arith.constant 0 : i32
    %dma_start3A_21 = tpu.memref_slice %arg7[%dma_start3A_19, %dma_start3A_20] : memref<4x128xi32, #tpu.memory_space<vmem>> -> memref<1x128xi32, #tpu.memory_space<vmem>>
    %dma_start3A_22 = tpu.memref_squeeze %dma_start3A_21 : memref<1x128xi32, #tpu.memory_space<vmem>> -> memref<128xi32, #tpu.memory_space<vmem>>
    %dma_start3A_23 = arith.constant 0 : i32
    %dma_start3A_24 = arith.constant 0 : i32
    %dma_start3A_25 = tpu.memref_slice %arg2[%dma_start3A_23, %dma_start3A_24] : memref<16384x256xf32, #tpu.memory_space<hbm>> -> memref<16384x256xf32, #tpu.memory_space<hbm>>
    tpu.enqueue_indirect_dma source(%dma_start3A_25 : memref<16384x256xf32, #tpu.memory_space<hbm>>) target(%arg8 : memref<128x256xf32, #tpu.memory_space<vmem>>) offsets(%dma_start3A_22 : memref<128xi32, #tpu.memory_space<vmem>>) semaphore(%arg9 : memref<!tpu.dma_semaphore, #tpu.memory_space<semaphore_mem>>)
    %dma_wait3A_26 = arith.constant 0 : i32
    %dma_wait3A_27 = arith.constant 0 : i32
    %dma_wait3A_28 = tpu.memref_slice %arg7[%dma_wait3A_26, %dma_wait3A_27] : memref<4x128xi32, #tpu.memory_space<vmem>> -> memref<1x128xi32, #tpu.memory_space<vmem>>
    %dma_wait3A_29 = tpu.memref_squeeze %dma_wait3A_28 : memref<1x128xi32, #tpu.memory_space<vmem>> -> memref<128xi32, #tpu.memory_space<vmem>>
    %dma_wait3A_30 = arith.constant 0 : i32
    %dma_wait3A_31 = arith.constant 0 : i32
    %dma_wait3A_32 = tpu.memref_slice %arg2[%dma_wait3A_30, %dma_wait3A_31] : memref<16384x256xf32, #tpu.memory_space<hbm>> -> memref<16384x256xf32, #tpu.memory_space<hbm>>
    tpu.wait_indirect_dma semaphore(%arg9 : memref<!tpu.dma_semaphore, #tpu.memory_space<semaphore_mem>>) src(%dma_wait3A_32 : memref<16384x256xf32, #tpu.memory_space<hbm>>) dst(%arg8 : memref<128x256xf32, #tpu.memory_space<vmem>>)
    %dma_start3A_33 = arith.constant 0 : i32
    %dma_start3A_34 = arith.constant 0 : i32
    %dma_start3A_35 = tpu.memref_slice %arg6[%dma_start3A_33, %dma_start3A_34] : memref<4x128xi32, #tpu.memory_space<vmem>> -> memref<1x128xi32, #tpu.memory_space<vmem>>
    %dma_start3A_36 = tpu.memref_squeeze %dma_start3A_35 : memref<1x128xi32, #tpu.memory_space<vmem>> -> memref<128xi32, #tpu.memory_space<vmem>>
    %dma_start3A_37 = arith.constant 0 : i32
    %dma_start3A_38 = arith.constant 0 : i32
    %dma_start3A_39 = tpu.memref_slice %arg5[%dma_start3A_37, %dma_start3A_38] : memref<65536x256xf32, #tpu.memory_space<hbm>> -> memref<65536x256xf32, #tpu.memory_space<hbm>>
    tpu.enqueue_indirect_dma source(%arg8 : memref<128x256xf32, #tpu.memory_space<vmem>>) target(%dma_start3A_39 : memref<65536x256xf32, #tpu.memory_space<hbm>>) offsets(%dma_start3A_36 : memref<128xi32, #tpu.memory_space<vmem>>) semaphore(%arg9 : memref<!tpu.dma_semaphore, #tpu.memory_space<semaphore_mem>>)
    %dma_wait3A_40 = arith.constant 0 : i32
    %dma_wait3A_41 = arith.constant 0 : i32
    %dma_wait3A_42 = tpu.memref_slice %arg6[%dma_wait3A_40, %dma_wait3A_41] : memref<4x128xi32, #tpu.memory_space<vmem>> -> memref<1x128xi32, #tpu.memory_space<vmem>>
    %dma_wait3A_43 = tpu.memref_squeeze %dma_wait3A_42 : memref<1x128xi32, #tpu.memory_space<vmem>> -> memref<128xi32, #tpu.memory_space<vmem>>
    %dma_wait3A_44 = arith.constant 0 : i32
    %dma_wait3A_45 = arith.constant 0 : i32
    %dma_wait3A_46 = tpu.memref_slice %arg5[%dma_wait3A_44, %dma_wait3A_45] : memref<65536x256xf32, #tpu.memory_space<hbm>> -> memref<65536x256xf32, #tpu.memory_space<hbm>>
    tpu.wait_indirect_dma semaphore(%arg9 : memref<!tpu.dma_semaphore, #tpu.memory_space<semaphore_mem>>) src(%arg8 : memref<128x256xf32, #tpu.memory_space<vmem>>) dst(%dma_wait3A_46 : memref<65536x256xf32, #tpu.memory_space<hbm>>)
    %dma_start3A_47 = arith.constant 1 : i32
    %dma_start3A_48 = arith.constant 1 : i32
    %dma_start3A_49 = arith.constant 0 : i32
    %dma_start3A_50 = tpu.memref_slice %arg7[%dma_start3A_48, %dma_start3A_49] : memref<4x128xi32, #tpu.memory_space<vmem>> -> memref<1x128xi32, #tpu.memory_space<vmem>>
    %dma_start3A_51 = tpu.memref_squeeze %dma_start3A_50 : memref<1x128xi32, #tpu.memory_space<vmem>> -> memref<128xi32, #tpu.memory_space<vmem>>
    %dma_start3A_52 = arith.constant 0 : i32
    %dma_start3A_53 = tpu.memref_slice %arg6[%dma_start3A_47, %dma_start3A_52] : memref<4x128xi32, #tpu.memory_space<vmem>> -> memref<1x128xi32, #tpu.memory_space<vmem>>
    %dma_start3A_54 = tpu.memref_squeeze %dma_start3A_53 : memref<1x128xi32, #tpu.memory_space<vmem>> -> memref<128xi32, #tpu.memory_space<vmem>>
    %dma_start3A_55 = arith.constant 0 : i32
    %dma_start3A_56 = tpu.memref_slice %arg4[%dma_start3A_55] : memref<65536xi32, #tpu.memory_space<hbm>> -> memref<65536xi32, #tpu.memory_space<hbm>>
    tpu.enqueue_indirect_dma source(%dma_start3A_56 : memref<65536xi32, #tpu.memory_space<hbm>>) target(%dma_start3A_51 : memref<128xi32, #tpu.memory_space<vmem>>) offsets(%dma_start3A_54 : memref<128xi32, #tpu.memory_space<vmem>>) semaphore(%arg9 : memref<!tpu.dma_semaphore, #tpu.memory_space<semaphore_mem>>)
    %dma_wait3A_57 = arith.constant 1 : i32
    %dma_wait3A_58 = arith.constant 1 : i32
    %dma_wait3A_59 = arith.constant 0 : i32
    %dma_wait3A_60 = tpu.memref_slice %arg7[%dma_wait3A_58, %dma_wait3A_59] : memref<4x128xi32, #tpu.memory_space<vmem>> -> memref<1x128xi32, #tpu.memory_space<vmem>>
    %dma_wait3A_61 = tpu.memref_squeeze %dma_wait3A_60 : memref<1x128xi32, #tpu.memory_space<vmem>> -> memref<128xi32, #tpu.memory_space<vmem>>
    %dma_wait3A_62 = arith.constant 0 : i32
    %dma_wait3A_63 = tpu.memref_slice %arg6[%dma_wait3A_57, %dma_wait3A_62] : memref<4x128xi32, #tpu.memory_space<vmem>> -> memref<1x128xi32, #tpu.memory_space<vmem>>
    %dma_wait3A_64 = tpu.memref_squeeze %dma_wait3A_63 : memref<1x128xi32, #tpu.memory_space<vmem>> -> memref<128xi32, #tpu.memory_space<vmem>>
    %dma_wait3A_65 = arith.constant 0 : i32
    %dma_wait3A_66 = tpu.memref_slice %arg4[%dma_wait3A_65] : memref<65536xi32, #tpu.memory_space<hbm>> -> memref<65536xi32, #tpu.memory_space<hbm>>
    tpu.wait_indirect_dma semaphore(%arg9 : memref<!tpu.dma_semaphore, #tpu.memory_space<semaphore_mem>>) src(%dma_wait3A_66 : memref<65536xi32, #tpu.memory_space<hbm>>) dst(%dma_wait3A_61 : memref<128xi32, #tpu.memory_space<vmem>>)
    %dma_start3A_67 = arith.constant 1 : i32
    %dma_start3A_68 = arith.constant 0 : i32
    %dma_start3A_69 = tpu.memref_slice %arg7[%dma_start3A_67, %dma_start3A_68] : memref<4x128xi32, #tpu.memory_space<vmem>> -> memref<1x128xi32, #tpu.memory_space<vmem>>
    %dma_start3A_70 = tpu.memref_squeeze %dma_start3A_69 : memref<1x128xi32, #tpu.memory_space<vmem>> -> memref<128xi32, #tpu.memory_space<vmem>>
    %dma_start3A_71 = arith.constant 0 : i32
    %dma_start3A_72 = arith.constant 0 : i32
    %dma_start3A_73 = tpu.memref_slice %arg2[%dma_start3A_71, %dma_start3A_72] : memref<16384x256xf32, #tpu.memory_space<hbm>> -> memref<16384x256xf32, #tpu.memory_space<hbm>>
    tpu.enqueue_indirect_dma source(%dma_start3A_73 : memref<16384x256xf32, #tpu.memory_space<hbm>>) target(%arg8 : memref<128x256xf32, #tpu.memory_space<vmem>>) offsets(%dma_start3A_70 : memref<128xi32, #tpu.memory_space<vmem>>) semaphore(%arg9 : memref<!tpu.dma_semaphore, #tpu.memory_space<semaphore_mem>>)
    %dma_wait3A_74 = arith.constant 1 : i32
    %dma_wait3A_75 = arith.constant 0 : i32
    %dma_wait3A_76 = tpu.memref_slice %arg7[%dma_wait3A_74, %dma_wait3A_75] : memref<4x128xi32, #tpu.memory_space<vmem>> -> memref<1x128xi32, #tpu.memory_space<vmem>>
    %dma_wait3A_77 = tpu.memref_squeeze %dma_wait3A_76 : memref<1x128xi32, #tpu.memory_space<vmem>> -> memref<128xi32, #tpu.memory_space<vmem>>
    %dma_wait3A_78 = arith.constant 0 : i32
    %dma_wait3A_79 = arith.constant 0 : i32
    %dma_wait3A_80 = tpu.memref_slice %arg2[%dma_wait3A_78, %dma_wait3A_79] : memref<16384x256xf32, #tpu.memory_space<hbm>> -> memref<16384x256xf32, #tpu.memory_space<hbm>>
    tpu.wait_indirect_dma semaphore(%arg9 : memref<!tpu.dma_semaphore, #tpu.memory_space<semaphore_mem>>) src(%dma_wait3A_80 : memref<16384x256xf32, #tpu.memory_space<hbm>>) dst(%arg8 : memref<128x256xf32, #tpu.memory_space<vmem>>)
    %dma_start3A_81 = arith.constant 1 : i32
    %dma_start3A_82 = arith.constant 0 : i32
    %dma_start3A_83 = tpu.memref_slice %arg6[%dma_start3A_81, %dma_start3A_82] : memref<4x128xi32, #tpu.memory_space<vmem>> -> memref<1x128xi32, #tpu.memory_space<vmem>>
    %dma_start3A_84 = tpu.memref_squeeze %dma_start3A_83 : memref<1x128xi32, #tpu.memory_space<vmem>> -> memref<128xi32, #tpu.memory_space<vmem>>
    %dma_start3A_85 = arith.constant 0 : i32
    %dma_start3A_86 = arith.constant 0 : i32
    %dma_start3A_87 = tpu.memref_slice %arg5[%dma_start3A_85, %dma_start3A_86] : memref<65536x256xf32, #tpu.memory_space<hbm>> -> memref<65536x256xf32, #tpu.memory_space<hbm>>
    tpu.enqueue_indirect_dma source(%arg8 : memref<128x256xf32, #tpu.memory_space<vmem>>) target(%dma_start3A_87 : memref<65536x256xf32, #tpu.memory_space<hbm>>) offsets(%dma_start3A_84 : memref<128xi32, #tpu.memory_space<vmem>>) semaphore(%arg9 : memref<!tpu.dma_semaphore, #tpu.memory_space<semaphore_mem>>)
    %dma_wait3A_88 = arith.constant 1 : i32
    %dma_wait3A_89 = arith.constant 0 : i32
    %dma_wait3A_90 = tpu.memref_slice %arg6[%dma_wait3A_88, %dma_wait3A_89] : memref<4x128xi32, #tpu.memory_space<vmem>> -> memref<1x128xi32, #tpu.memory_space<vmem>>
    %dma_wait3A_91 = tpu.memref_squeeze %dma_wait3A_90 : memref<1x128xi32, #tpu.memory_space<vmem>> -> memref<128xi32, #tpu.memory_space<vmem>>
    %dma_wait3A_92 = arith.constant 0 : i32
    %dma_wait3A_93 = arith.constant 0 : i32
    %dma_wait3A_94 = tpu.memref_slice %arg5[%dma_wait3A_92, %dma_wait3A_93] : memref<65536x256xf32, #tpu.memory_space<hbm>> -> memref<65536x256xf32, #tpu.memory_space<hbm>>
    tpu.wait_indirect_dma semaphore(%arg9 : memref<!tpu.dma_semaphore, #tpu.memory_space<semaphore_mem>>) src(%arg8 : memref<128x256xf32, #tpu.memory_space<vmem>>) dst(%dma_wait3A_94 : memref<65536x256xf32, #tpu.memory_space<hbm>>)
    %dma_start3A_95 = arith.constant 2 : i32
    %dma_start3A_96 = arith.constant 2 : i32
    %dma_start3A_97 = arith.constant 0 : i32
    %dma_start3A_98 = tpu.memref_slice %arg7[%dma_start3A_96, %dma_start3A_97] : memref<4x128xi32, #tpu.memory_space<vmem>> -> memref<1x128xi32, #tpu.memory_space<vmem>>
    %dma_start3A_99 = tpu.memref_squeeze %dma_start3A_98 : memref<1x128xi32, #tpu.memory_space<vmem>> -> memref<128xi32, #tpu.memory_space<vmem>>
    %dma_start3A_100 = arith.constant 0 : i32
    %dma_start3A_101 = tpu.memref_slice %arg6[%dma_start3A_95, %dma_start3A_100] : memref<4x128xi32, #tpu.memory_space<vmem>> -> memref<1x128xi32, #tpu.memory_space<vmem>>
    %dma_start3A_102 = tpu.memref_squeeze %dma_start3A_101 : memref<1x128xi32, #tpu.memory_space<vmem>> -> memref<128xi32, #tpu.memory_space<vmem>>
    %dma_start3A_103 = arith.constant 0 : i32
    %dma_start3A_104 = tpu.memref_slice %arg4[%dma_start3A_103] : memref<65536xi32, #tpu.memory_space<hbm>> -> memref<65536xi32, #tpu.memory_space<hbm>>
    tpu.enqueue_indirect_dma source(%dma_start3A_104 : memref<65536xi32, #tpu.memory_space<hbm>>) target(%dma_start3A_99 : memref<128xi32, #tpu.memory_space<vmem>>) offsets(%dma_start3A_102 : memref<128xi32, #tpu.memory_space<vmem>>) semaphore(%arg9 : memref<!tpu.dma_semaphore, #tpu.memory_space<semaphore_mem>>)
    %dma_wait3A_105 = arith.constant 2 : i32
    %dma_wait3A_106 = arith.constant 2 : i32
    %dma_wait3A_107 = arith.constant 0 : i32
    %dma_wait3A_108 = tpu.memref_slice %arg7[%dma_wait3A_106, %dma_wait3A_107] : memref<4x128xi32, #tpu.memory_space<vmem>> -> memref<1x128xi32, #tpu.memory_space<vmem>>
    %dma_wait3A_109 = tpu.memref_squeeze %dma_wait3A_108 : memref<1x128xi32, #tpu.memory_space<vmem>> -> memref<128xi32, #tpu.memory_space<vmem>>
    %dma_wait3A_110 = arith.constant 0 : i32
    %dma_wait3A_111 = tpu.memref_slice %arg6[%dma_wait3A_105, %dma_wait3A_110] : memref<4x128xi32, #tpu.memory_space<vmem>> -> memref<1x128xi32, #tpu.memory_space<vmem>>
    %dma_wait3A_112 = tpu.memref_squeeze %dma_wait3A_111 : memref<1x128xi32, #tpu.memory_space<vmem>> -> memref<128xi32, #tpu.memory_space<vmem>>
    %dma_wait3A_113 = arith.constant 0 : i32
    %dma_wait3A_114 = tpu.memref_slice %arg4[%dma_wait3A_113] : memref<65536xi32, #tpu.memory_space<hbm>> -> memref<65536xi32, #tpu.memory_space<hbm>>
    tpu.wait_indirect_dma semaphore(%arg9 : memref<!tpu.dma_semaphore, #tpu.memory_space<semaphore_mem>>) src(%dma_wait3A_114 : memref<65536xi32, #tpu.memory_space<hbm>>) dst(%dma_wait3A_109 : memref<128xi32, #tpu.memory_space<vmem>>)
    %dma_start3A_115 = arith.constant 2 : i32
    %dma_start3A_116 = arith.constant 0 : i32
    %dma_start3A_117 = tpu.memref_slice %arg7[%dma_start3A_115, %dma_start3A_116] : memref<4x128xi32, #tpu.memory_space<vmem>> -> memref<1x128xi32, #tpu.memory_space<vmem>>
    %dma_start3A_118 = tpu.memref_squeeze %dma_start3A_117 : memref<1x128xi32, #tpu.memory_space<vmem>> -> memref<128xi32, #tpu.memory_space<vmem>>
    %dma_start3A_119 = arith.constant 0 : i32
    %dma_start3A_120 = arith.constant 0 : i32
    %dma_start3A_121 = tpu.memref_slice %arg2[%dma_start3A_119, %dma_start3A_120] : memref<16384x256xf32, #tpu.memory_space<hbm>> -> memref<16384x256xf32, #tpu.memory_space<hbm>>
    tpu.enqueue_indirect_dma source(%dma_start3A_121 : memref<16384x256xf32, #tpu.memory_space<hbm>>) target(%arg8 : memref<128x256xf32, #tpu.memory_space<vmem>>) offsets(%dma_start3A_118 : memref<128xi32, #tpu.memory_space<vmem>>) semaphore(%arg9 : memref<!tpu.dma_semaphore, #tpu.memory_space<semaphore_mem>>)
    %dma_wait3A_122 = arith.constant 2 : i32
    %dma_wait3A_123 = arith.constant 0 : i32
    %dma_wait3A_124 = tpu.memref_slice %arg7[%dma_wait3A_122, %dma_wait3A_123] : memref<4x128xi32, #tpu.memory_space<vmem>> -> memref<1x128xi32, #tpu.memory_space<vmem>>
    %dma_wait3A_125 = tpu.memref_squeeze %dma_wait3A_124 : memref<1x128xi32, #tpu.memory_space<vmem>> -> memref<128xi32, #tpu.memory_space<vmem>>
    %dma_wait3A_126 = arith.constant 0 : i32
    %dma_wait3A_127 = arith.constant 0 : i32
    %dma_wait3A_128 = tpu.memref_slice %arg2[%dma_wait3A_126, %dma_wait3A_127] : memref<16384x256xf32, #tpu.memory_space<hbm>> -> memref<16384x256xf32, #tpu.memory_space<hbm>>
    tpu.wait_indirect_dma semaphore(%arg9 : memref<!tpu.dma_semaphore, #tpu.memory_space<semaphore_mem>>) src(%dma_wait3A_128 : memref<16384x256xf32, #tpu.memory_space<hbm>>) dst(%arg8 : memref<128x256xf32, #tpu.memory_space<vmem>>)
    %dma_start3A_129 = arith.constant 2 : i32
    %dma_start3A_130 = arith.constant 0 : i32
    %dma_start3A_131 = tpu.memref_slice %arg6[%dma_start3A_129, %dma_start3A_130] : memref<4x128xi32, #tpu.memory_space<vmem>> -> memref<1x128xi32, #tpu.memory_space<vmem>>
    %dma_start3A_132 = tpu.memref_squeeze %dma_start3A_131 : memref<1x128xi32, #tpu.memory_space<vmem>> -> memref<128xi32, #tpu.memory_space<vmem>>
    %dma_start3A_133 = arith.constant 0 : i32
    %dma_start3A_134 = arith.constant 0 : i32
    %dma_start3A_135 = tpu.memref_slice %arg5[%dma_start3A_133, %dma_start3A_134] : memref<65536x256xf32, #tpu.memory_space<hbm>> -> memref<65536x256xf32, #tpu.memory_space<hbm>>
    tpu.enqueue_indirect_dma source(%arg8 : memref<128x256xf32, #tpu.memory_space<vmem>>) target(%dma_start3A_135 : memref<65536x256xf32, #tpu.memory_space<hbm>>) offsets(%dma_start3A_132 : memref<128xi32, #tpu.memory_space<vmem>>) semaphore(%arg9 : memref<!tpu.dma_semaphore, #tpu.memory_space<semaphore_mem>>)
    %dma_wait3A_136 = arith.constant 2 : i32
    %dma_wait3A_137 = arith.constant 0 : i32
    %dma_wait3A_138 = tpu.memref_slice %arg6[%dma_wait3A_136, %dma_wait3A_137] : memref<4x128xi32, #tpu.memory_space<vmem>> -> memref<1x128xi32, #tpu.memory_space<vmem>>
    %dma_wait3A_139 = tpu.memref_squeeze %dma_wait3A_138 : memref<1x128xi32, #tpu.memory_space<vmem>> -> memref<128xi32, #tpu.memory_space<vmem>>
    %dma_wait3A_140 = arith.constant 0 : i32
    %dma_wait3A_141 = arith.constant 0 : i32
    %dma_wait3A_142 = tpu.memref_slice %arg5[%dma_wait3A_140, %dma_wait3A_141] : memref<65536x256xf32, #tpu.memory_space<hbm>> -> memref<65536x256xf32, #tpu.memory_space<hbm>>
    tpu.wait_indirect_dma semaphore(%arg9 : memref<!tpu.dma_semaphore, #tpu.memory_space<semaphore_mem>>) src(%arg8 : memref<128x256xf32, #tpu.memory_space<vmem>>) dst(%dma_wait3A_142 : memref<65536x256xf32, #tpu.memory_space<hbm>>)
    %dma_start3A_143 = arith.constant 3 : i32
    %dma_start3A_144 = arith.constant 3 : i32
    %dma_start3A_145 = arith.constant 0 : i32
    %dma_start3A_146 = tpu.memref_slice %arg7[%dma_start3A_144, %dma_start3A_145] : memref<4x128xi32, #tpu.memory_space<vmem>> -> memref<1x128xi32, #tpu.memory_space<vmem>>
    %dma_start3A_147 = tpu.memref_squeeze %dma_start3A_146 : memref<1x128xi32, #tpu.memory_space<vmem>> -> memref<128xi32, #tpu.memory_space<vmem>>
    %dma_start3A_148 = arith.constant 0 : i32
    %dma_start3A_149 = tpu.memref_slice %arg6[%dma_start3A_143, %dma_start3A_148] : memref<4x128xi32, #tpu.memory_space<vmem>> -> memref<1x128xi32, #tpu.memory_space<vmem>>
    %dma_start3A_150 = tpu.memref_squeeze %dma_start3A_149 : memref<1x128xi32, #tpu.memory_space<vmem>> -> memref<128xi32, #tpu.memory_space<vmem>>
    %dma_start3A_151 = arith.constant 0 : i32
    %dma_start3A_152 = tpu.memref_slice %arg4[%dma_start3A_151] : memref<65536xi32, #tpu.memory_space<hbm>> -> memref<65536xi32, #tpu.memory_space<hbm>>
    tpu.enqueue_indirect_dma source(%dma_start3A_152 : memref<65536xi32, #tpu.memory_space<hbm>>) target(%dma_start3A_147 : memref<128xi32, #tpu.memory_space<vmem>>) offsets(%dma_start3A_150 : memref<128xi32, #tpu.memory_space<vmem>>) semaphore(%arg9 : memref<!tpu.dma_semaphore, #tpu.memory_space<semaphore_mem>>)
    %dma_wait3A_153 = arith.constant 3 : i32
    %dma_wait3A_154 = arith.constant 3 : i32
    %dma_wait3A_155 = arith.constant 0 : i32
    %dma_wait3A_156 = tpu.memref_slice %arg7[%dma_wait3A_154, %dma_wait3A_155] : memref<4x128xi32, #tpu.memory_space<vmem>> -> memref<1x128xi32, #tpu.memory_space<vmem>>
    %dma_wait3A_157 = tpu.memref_squeeze %dma_wait3A_156 : memref<1x128xi32, #tpu.memory_space<vmem>> -> memref<128xi32, #tpu.memory_space<vmem>>
    %dma_wait3A_158 = arith.constant 0 : i32
    %dma_wait3A_159 = tpu.memref_slice %arg6[%dma_wait3A_153, %dma_wait3A_158] : memref<4x128xi32, #tpu.memory_space<vmem>> -> memref<1x128xi32, #tpu.memory_space<vmem>>
    %dma_wait3A_160 = tpu.memref_squeeze %dma_wait3A_159 : memref<1x128xi32, #tpu.memory_space<vmem>> -> memref<128xi32, #tpu.memory_space<vmem>>
    %dma_wait3A_161 = arith.constant 0 : i32
    %dma_wait3A_162 = tpu.memref_slice %arg4[%dma_wait3A_161] : memref<65536xi32, #tpu.memory_space<hbm>> -> memref<65536xi32, #tpu.memory_space<hbm>>
    tpu.wait_indirect_dma semaphore(%arg9 : memref<!tpu.dma_semaphore, #tpu.memory_space<semaphore_mem>>) src(%dma_wait3A_162 : memref<65536xi32, #tpu.memory_space<hbm>>) dst(%dma_wait3A_157 : memref<128xi32, #tpu.memory_space<vmem>>)
    %dma_start3A_163 = arith.constant 3 : i32
    %dma_start3A_164 = arith.constant 0 : i32
    %dma_start3A_165 = tpu.memref_slice %arg7[%dma_start3A_163, %dma_start3A_164] : memref<4x128xi32, #tpu.memory_space<vmem>> -> memref<1x128xi32, #tpu.memory_space<vmem>>
    %dma_start3A_166 = tpu.memref_squeeze %dma_start3A_165 : memref<1x128xi32, #tpu.memory_space<vmem>> -> memref<128xi32, #tpu.memory_space<vmem>>
    %dma_start3A_167 = arith.constant 0 : i32
    %dma_start3A_168 = arith.constant 0 : i32
    %dma_start3A_169 = tpu.memref_slice %arg2[%dma_start3A_167, %dma_start3A_168] : memref<16384x256xf32, #tpu.memory_space<hbm>> -> memref<16384x256xf32, #tpu.memory_space<hbm>>
    tpu.enqueue_indirect_dma source(%dma_start3A_169 : memref<16384x256xf32, #tpu.memory_space<hbm>>) target(%arg8 : memref<128x256xf32, #tpu.memory_space<vmem>>) offsets(%dma_start3A_166 : memref<128xi32, #tpu.memory_space<vmem>>) semaphore(%arg9 : memref<!tpu.dma_semaphore, #tpu.memory_space<semaphore_mem>>)
    %dma_wait3A_170 = arith.constant 3 : i32
    %dma_wait3A_171 = arith.constant 0 : i32
    %dma_wait3A_172 = tpu.memref_slice %arg7[%dma_wait3A_170, %dma_wait3A_171] : memref<4x128xi32, #tpu.memory_space<vmem>> -> memref<1x128xi32, #tpu.memory_space<vmem>>
    %dma_wait3A_173 = tpu.memref_squeeze %dma_wait3A_172 : memref<1x128xi32, #tpu.memory_space<vmem>> -> memref<128xi32, #tpu.memory_space<vmem>>
    %dma_wait3A_174 = arith.constant 0 : i32
    %dma_wait3A_175 = arith.constant 0 : i32
    %dma_wait3A_176 = tpu.memref_slice %arg2[%dma_wait3A_174, %dma_wait3A_175] : memref<16384x256xf32, #tpu.memory_space<hbm>> -> memref<16384x256xf32, #tpu.memory_space<hbm>>
    tpu.wait_indirect_dma semaphore(%arg9 : memref<!tpu.dma_semaphore, #tpu.memory_space<semaphore_mem>>) src(%dma_wait3A_176 : memref<16384x256xf32, #tpu.memory_space<hbm>>) dst(%arg8 : memref<128x256xf32, #tpu.memory_space<vmem>>)
    %dma_start3A_177 = arith.constant 3 : i32
    %dma_start3A_178 = arith.constant 0 : i32
    %dma_start3A_179 = tpu.memref_slice %arg6[%dma_start3A_177, %dma_start3A_178] : memref<4x128xi32, #tpu.memory_space<vmem>> -> memref<1x128xi32, #tpu.memory_space<vmem>>
    %dma_start3A_180 = tpu.memref_squeeze %dma_start3A_179 : memref<1x128xi32, #tpu.memory_space<vmem>> -> memref<128xi32, #tpu.memory_space<vmem>>
    %dma_start3A_181 = arith.constant 0 : i32
    %dma_start3A_182 = arith.constant 0 : i32
    %dma_start3A_183 = tpu.memref_slice %arg5[%dma_start3A_181, %dma_start3A_182] : memref<65536x256xf32, #tpu.memory_space<hbm>> -> memref<65536x256xf32, #tpu.memory_space<hbm>>
    tpu.enqueue_indirect_dma source(%arg8 : memref<128x256xf32, #tpu.memory_space<vmem>>) target(%dma_start3A_183 : memref<65536x256xf32, #tpu.memory_space<hbm>>) offsets(%dma_start3A_180 : memref<128xi32, #tpu.memory_space<vmem>>) semaphore(%arg9 : memref<!tpu.dma_semaphore, #tpu.memory_space<semaphore_mem>>)
    %dma_wait3A_184 = arith.constant 3 : i32
    %dma_wait3A_185 = arith.constant 0 : i32
    %dma_wait3A_186 = tpu.memref_slice %arg6[%dma_wait3A_184, %dma_wait3A_185] : memref<4x128xi32, #tpu.memory_space<vmem>> -> memref<1x128xi32, #tpu.memory_space<vmem>>
    %dma_wait3A_187 = tpu.memref_squeeze %dma_wait3A_186 : memref<1x128xi32, #tpu.memory_space<vmem>> -> memref<128xi32, #tpu.memory_space<vmem>>
    %dma_wait3A_188 = arith.constant 0 : i32
    %dma_wait3A_189 = arith.constant 0 : i32
    %dma_wait3A_190 = tpu.memref_slice %arg5[%dma_wait3A_188, %dma_wait3A_189] : memref<65536x256xf32, #tpu.memory_space<hbm>> -> memref<65536x256xf32, #tpu.memory_space<hbm>>
    tpu.wait_indirect_dma semaphore(%arg9 : memref<!tpu.dma_semaphore, #tpu.memory_space<semaphore_mem>>) src(%arg8 : memref<128x256xf32, #tpu.memory_space<vmem>>) dst(%dma_wait3A_190 : memref<65536x256xf32, #tpu.memory_space<hbm>>)
    return
  }
}

#map = affine_map<(d0, d1) -> (0)>
module attributes {stable_mosaic.version = 14 : i64} {
  func.func @_winner_body(%arg0: i32, %arg1: i32, %arg2: memref<16384xi32, #tpu.memory_space<hbm>>, %arg3: memref<65536xi32, #tpu.memory_space<hbm>>, %arg4: memref<65536xf32, #tpu.memory_space<hbm>>, %arg5: memref<16384xi32, #tpu.memory_space<vmem>>, %arg6: memref<2048xi32, #tpu.memory_space<vmem>>, %arg7: memref<2048xf32, #tpu.memory_space<vmem>>) attributes {dimension_semantics = [#tpu.dimension_semantics<core_parallel>, #tpu.dimension_semantics<subcore_parallel>], iteration_bounds = array<i64: 2, 16>, scalar_prefetch = 0 : i64, scratch_operands = 3 : i64, tpu.core_type = #tpu.core_type<sc_vector_subcore>, window_params = [{transform_indices = #map}, {transform_indices = #map}, {transform_indices = #map}]} {
    %mul3A = arith.constant 2 : i32
    %mul3A_0 = arith.muli %arg1, %mul3A : i32
    %add3A = arith.addi %mul3A_0, %arg0 : i32
    %mul3A_1 = arith.constant 2048 : i32
    %mul3A_2 = arith.muli %add3A, %mul3A_1 : i32
    "tpu.region"() ({
      %run_scoped3A = tpu.sem_alloc : memref<!tpu.dma_semaphore, #tpu.memory_space<semaphore_mem>>
      tpu.enqueue_dma source(%arg2 : memref<16384xi32, #tpu.memory_space<hbm>>) target(%arg5 : memref<16384xi32, #tpu.memory_space<vmem>>) target_semaphore(%run_scoped3A : memref<!tpu.dma_semaphore, #tpu.memory_space<semaphore_mem>>)
      tpu.wait_dma2 semaphore(%run_scoped3A : memref<!tpu.dma_semaphore, #tpu.memory_space<semaphore_mem>>) src(%arg2 : memref<16384xi32, #tpu.memory_space<hbm>>) dst(%arg5 : memref<16384xi32, #tpu.memory_space<vmem>>)
      tpu.yield
    }) : () -> ()
    %scan3A = arith.constant 0 : i32
    %scan3A_3 = arith.constant 0 : i32
    %scan3A_4 = arith.constant 128 : i32
    %scan3A_5 = arith.addi %scan3A_3, %scan3A_4 : i32
    %scan3A_6 = arith.constant 1 : i32
    %scan3A_7 = scf.for %scan3A_64 = %scan3A_3 to %scan3A_5 step %scan3A_6 iter_args(%scan3A_65 = %scan3A) -> (i32)  : i32 {
      %broadcast_in_dim3A_66 = arith.constant 0.000000e+00 : f32
      %broadcast_in_dim3A_67 = vector.broadcast %broadcast_in_dim3A_66 : f32 to vector<16xf32>
      %mul3A_68 = arith.constant 16 : i32
      %mul3A_69 = arith.muli %scan3A_64, %mul3A_68 : i32
      %swap3A = arith.index_cast %mul3A_69 : i32 to index
      %swap3A_70 = tpu.vector_load %arg7[%swap3A] {strides = array<i32>} : memref<2048xf32, #tpu.memory_space<vmem>>, vector<16xf32>,
      tpu.vector_store %arg7[%swap3A], %broadcast_in_dim3A_67 {strides = array<i32>} : memref<2048xf32, #tpu.memory_space<vmem>>, vector<16xf32>,
      %broadcast_in_dim3A_71 = arith.constant 0 : i32
      %broadcast_in_dim3A_72 = vector.broadcast %broadcast_in_dim3A_71 : i32 to vector<16xi32>
      %mul3A_73 = arith.constant 16 : i32
      %mul3A_74 = arith.muli %scan3A_64, %mul3A_73 : i32
      %swap3A_75 = arith.index_cast %mul3A_74 : i32 to index
      %swap3A_76 = tpu.vector_load %arg6[%swap3A_75] {strides = array<i32>} : memref<2048xi32, #tpu.memory_space<vmem>>, vector<16xi32>,
      tpu.vector_store %arg6[%swap3A_75], %broadcast_in_dim3A_72 {strides = array<i32>} : memref<2048xi32, #tpu.memory_space<vmem>>, vector<16xi32>,
      %scan3A_77 = arith.constant 0 : i32
      scf.yield %scan3A_77 : i32
    }
    %scan3A_8 = arith.constant 128 : i32
    %iota3A = tpu.iota {dimensions = array<i32: 0>} : vector<16xi32>
    %broadcast_in_dim3A = arith.constant 1.000000e+00 : f32
    %broadcast_in_dim3A_9 = vector.broadcast %broadcast_in_dim3A : f32 to vector<16xf32>
    %eq3A = arith.constant 0 : i32
    %eq3A_10 = vector.broadcast %eq3A : i32 to vector<16xi32>
    %eq3A_11 = arith.cmpi eq, %iota3A, %eq3A_10 : vector<16xi32>
    %eq3A_12 = arith.constant 1 : i32
    %eq3A_13 = vector.broadcast %eq3A_12 : i32 to vector<16xi32>
    %eq3A_14 = arith.cmpi eq, %iota3A, %eq3A_13 : vector<16xi32>
    %eq3A_15 = arith.constant 2 : i32
    %eq3A_16 = vector.broadcast %eq3A_15 : i32 to vector<16xi32>
    %eq3A_17 = arith.cmpi eq, %iota3A, %eq3A_16 : vector<16xi32>
    %eq3A_18 = arith.constant 3 : i32
    %eq3A_19 = vector.broadcast %eq3A_18 : i32 to vector<16xi32>
    %eq3A_20 = arith.cmpi eq, %iota3A, %eq3A_19 : vector<16xi32>
    %eq3A_21 = arith.constant 4 : i32
    %eq3A_22 = vector.broadcast %eq3A_21 : i32 to vector<16xi32>
    %eq3A_23 = arith.cmpi eq, %iota3A, %eq3A_22 : vector<16xi32>
    %eq3A_24 = arith.constant 5 : i32
    %eq3A_25 = vector.broadcast %eq3A_24 : i32 to vector<16xi32>
    %eq3A_26 = arith.cmpi eq, %iota3A, %eq3A_25 : vector<16xi32>
    %eq3A_27 = arith.constant 6 : i32
    %eq3A_28 = vector.broadcast %eq3A_27 : i32 to vector<16xi32>
    %eq3A_29 = arith.cmpi eq, %iota3A, %eq3A_28 : vector<16xi32>
    %eq3A_30 = arith.constant 7 : i32
    %eq3A_31 = vector.broadcast %eq3A_30 : i32 to vector<16xi32>
    %eq3A_32 = arith.cmpi eq, %iota3A, %eq3A_31 : vector<16xi32>
    %eq3A_33 = arith.constant 8 : i32
    %eq3A_34 = vector.broadcast %eq3A_33 : i32 to vector<16xi32>
    %eq3A_35 = arith.cmpi eq, %iota3A, %eq3A_34 : vector<16xi32>
    %eq3A_36 = arith.constant 9 : i32
    %eq3A_37 = vector.broadcast %eq3A_36 : i32 to vector<16xi32>
    %eq3A_38 = arith.cmpi eq, %iota3A, %eq3A_37 : vector<16xi32>
    %eq3A_39 = arith.constant 10 : i32
    %eq3A_40 = vector.broadcast %eq3A_39 : i32 to vector<16xi32>
    %eq3A_41 = arith.cmpi eq, %iota3A, %eq3A_40 : vector<16xi32>
    %eq3A_42 = arith.constant 11 : i32
    %eq3A_43 = vector.broadcast %eq3A_42 : i32 to vector<16xi32>
    %eq3A_44 = arith.cmpi eq, %iota3A, %eq3A_43 : vector<16xi32>
    %eq3A_45 = arith.constant 12 : i32
    %eq3A_46 = vector.broadcast %eq3A_45 : i32 to vector<16xi32>
    %eq3A_47 = arith.cmpi eq, %iota3A, %eq3A_46 : vector<16xi32>
    %eq3A_48 = arith.constant 13 : i32
    %eq3A_49 = vector.broadcast %eq3A_48 : i32 to vector<16xi32>
    %eq3A_50 = arith.cmpi eq, %iota3A, %eq3A_49 : vector<16xi32>
    %eq3A_51 = arith.constant 14 : i32
    %eq3A_52 = vector.broadcast %eq3A_51 : i32 to vector<16xi32>
    %eq3A_53 = arith.cmpi eq, %iota3A, %eq3A_52 : vector<16xi32>
    %eq3A_54 = arith.constant 15 : i32
    %eq3A_55 = vector.broadcast %eq3A_54 : i32 to vector<16xi32>
    %eq3A_56 = arith.cmpi eq, %iota3A, %eq3A_55 : vector<16xi32>
    %scan3A_57 = arith.constant 0 : i32
    %scan3A_58 = arith.constant 0 : i32
    %scan3A_59 = arith.constant 1024 : i32
    %scan3A_60 = arith.addi %scan3A_58, %scan3A_59 : i32
    %scan3A_61 = arith.constant 1 : i32
    %scan3A_62 = scf.for %scan3A_64 = %scan3A_58 to %scan3A_60 step %scan3A_61 iter_args(%scan3A_65 = %scan3A_57) -> (i32)  : i32 {
      %mul3A_66 = arith.constant 16 : i32
      %mul3A_67 = arith.muli %scan3A_64, %mul3A_66 : i32
      %get3A = arith.index_cast %mul3A_67 : i32 to index
      %get3A_68 = tpu.vector_load %arg5[%get3A] {strides = array<i32>} : memref<16384xi32, #tpu.memory_space<vmem>>, vector<16xi32>,
      %mul3A_69 = arith.constant 16 : i32
      %mul3A_70 = arith.muli %scan3A_64, %mul3A_69 : i32
      %add3A_71 = vector.broadcast %mul3A_70 : i32 to vector<16xi32>
      %add3A_72 = arith.addi %add3A_71, %iota3A : vector<16xi32>
      %ge3A = vector.broadcast %mul3A_2 : i32 to vector<16xi32>
      %ge3A_73 = arith.cmpi sge, %get3A_68, %ge3A : vector<16xi32>
      %add3A_74 = arith.constant 2048 : i32
      %add3A_75 = arith.addi %mul3A_2, %add3A_74 : i32
      %lt3A = vector.broadcast %add3A_75 : i32 to vector<16xi32>
      %lt3A_76 = arith.cmpi slt, %get3A_68, %lt3A : vector<16xi32>
      %and3A = arith.andi %ge3A_73, %lt3A_76 : vector<16xi1>
      %sub3A = vector.broadcast %mul3A_2 : i32 to vector<16xi32>
      %sub3A_77 = arith.subi %get3A_68, %sub3A : vector<16xi32>
      %jit3A = arith.constant 0 : i32
      %jit3A_78 = arith.constant 2047 : i32
      %max3A = vector.broadcast %jit3A : i32 to vector<16xi32>
      %max3A_79 = arith.maxsi %max3A, %sub3A_77 : vector<16xi32>
      %min3A = vector.broadcast %jit3A_78 : i32 to vector<16xi32>
      %min3A_80 = arith.minsi %min3A, %max3A_79 : vector<16xi32>
      tpu.vector_store_idx %arg7[%min3A_80], %broadcast_in_dim3A_9 masked %and3A : memref<2048xf32, #tpu.memory_space<vmem>>[vector<16xi32>], vector<16xf32>, vector<16xi1>
      %and3A_81 = arith.andi %and3A, %eq3A_11 : vector<16xi1>
      tpu.vector_store_idx %arg6[%min3A_80], %add3A_72 masked %and3A_81 : memref<2048xi32, #tpu.memory_space<vmem>>[vector<16xi32>], vector<16xi32>, vector<16xi1>
      %and3A_82 = arith.andi %and3A, %eq3A_14 : vector<16xi1>
      tpu.vector_store_idx %arg6[%min3A_80], %add3A_72 masked %and3A_82 : memref<2048xi32, #tpu.memory_space<vmem>>[vector<16xi32>], vector<16xi32>, vector<16xi1>
      %and3A_83 = arith.andi %and3A, %eq3A_17 : vector<16xi1>
      tpu.vector_store_idx %arg6[%min3A_80], %add3A_72 masked %and3A_83 : memref<2048xi32, #tpu.memory_space<vmem>>[vector<16xi32>], vector<16xi32>, vector<16xi1>
      %and3A_84 = arith.andi %and3A, %eq3A_20 : vector<16xi1>
      tpu.vector_store_idx %arg6[%min3A_80], %add3A_72 masked %and3A_84 : memref<2048xi32, #tpu.memory_space<vmem>>[vector<16xi32>], vector<16xi32>, vector<16xi1>
      %and3A_85 = arith.andi %and3A, %eq3A_23 : vector<16xi1>
      tpu.vector_store_idx %arg6[%min3A_80], %add3A_72 masked %and3A_85 : memref<2048xi32, #tpu.memory_space<vmem>>[vector<16xi32>], vector<16xi32>, vector<16xi1>
      %and3A_86 = arith.andi %and3A, %eq3A_26 : vector<16xi1>
      tpu.vector_store_idx %arg6[%min3A_80], %add3A_72 masked %and3A_86 : memref<2048xi32, #tpu.memory_space<vmem>>[vector<16xi32>], vector<16xi32>, vector<16xi1>
      %and3A_87 = arith.andi %and3A, %eq3A_29 : vector<16xi1>
      tpu.vector_store_idx %arg6[%min3A_80], %add3A_72 masked %and3A_87 : memref<2048xi32, #tpu.memory_space<vmem>>[vector<16xi32>], vector<16xi32>, vector<16xi1>
      %and3A_88 = arith.andi %and3A, %eq3A_32 : vector<16xi1>
      tpu.vector_store_idx %arg6[%min3A_80], %add3A_72 masked %and3A_88 : memref<2048xi32, #tpu.memory_space<vmem>>[vector<16xi32>], vector<16xi32>, vector<16xi1>
      %and3A_89 = arith.andi %and3A, %eq3A_35 : vector<16xi1>
      tpu.vector_store_idx %arg6[%min3A_80], %add3A_72 masked %and3A_89 : memref<2048xi32, #tpu.memory_space<vmem>>[vector<16xi32>], vector<16xi32>, vector<16xi1>
      %and3A_90 = arith.andi %and3A, %eq3A_38 : vector<16xi1>
      tpu.vector_store_idx %arg6[%min3A_80], %add3A_72 masked %and3A_90 : memref<2048xi32, #tpu.memory_space<vmem>>[vector<16xi32>], vector<16xi32>, vector<16xi1>
      %and3A_91 = arith.andi %and3A, %eq3A_41 : vector<16xi1>
      tpu.vector_store_idx %arg6[%min3A_80], %add3A_72 masked %and3A_91 : memref<2048xi32, #tpu.memory_space<vmem>>[vector<16xi32>], vector<16xi32>, vector<16xi1>
      %and3A_92 = arith.andi %and3A, %eq3A_44 : vector<16xi1>
      tpu.vector_store_idx %arg6[%min3A_80], %add3A_72 masked %and3A_92 : memref<2048xi32, #tpu.memory_space<vmem>>[vector<16xi32>], vector<16xi32>, vector<16xi1>
      %and3A_93 = arith.andi %and3A, %eq3A_47 : vector<16xi1>
      tpu.vector_store_idx %arg6[%min3A_80], %add3A_72 masked %and3A_93 : memref<2048xi32, #tpu.memory_space<vmem>>[vector<16xi32>], vector<16xi32>, vector<16xi1>
      %and3A_94 = arith.andi %and3A, %eq3A_50 : vector<16xi1>
      tpu.vector_store_idx %arg6[%min3A_80], %add3A_72 masked %and3A_94 : memref<2048xi32, #tpu.memory_space<vmem>>[vector<16xi32>], vector<16xi32>, vector<16xi1>
      %and3A_95 = arith.andi %and3A, %eq3A_53 : vector<16xi1>
      tpu.vector_store_idx %arg6[%min3A_80], %add3A_72 masked %and3A_95 : memref<2048xi32, #tpu.memory_space<vmem>>[vector<16xi32>], vector<16xi32>, vector<16xi1>
      %and3A_96 = arith.andi %and3A, %eq3A_56 : vector<16xi1>
      tpu.vector_store_idx %arg6[%min3A_80], %add3A_72 masked %and3A_96 : memref<2048xi32, #tpu.memory_space<vmem>>[vector<16xi32>], vector<16xi32>, vector<16xi1>
      %scan3A_97 = arith.constant 0 : i32
      scf.yield %scan3A_97 : i32
    }
    %scan3A_63 = arith.constant 1024 : i32
    "tpu.region"() ({
      %run_scoped3A = tpu.sem_alloc : memref<!tpu.dma_semaphore, #tpu.memory_space<semaphore_mem>>
      %dma_start3A = tpu.memref_slice %arg3[%mul3A_2] : memref<65536xi32, #tpu.memory_space<hbm>> -> memref<2048xi32, #tpu.memory_space<hbm>>
      %dma_start3A_64 = tpu.memref_slice %arg3[%mul3A_2] : memref<65536xi32, #tpu.memory_space<hbm>> -> memref<2048xi32, #tpu.memory_space<hbm>>
      tpu.enqueue_dma source(%arg6 : memref<2048xi32, #tpu.memory_space<vmem>>) target(%dma_start3A_64 : memref<2048xi32, #tpu.memory_space<hbm>>) target_semaphore(%run_scoped3A : memref<!tpu.dma_semaphore, #tpu.memory_space<semaphore_mem>>)
      %dma_wait3A = tpu.memref_slice %arg3[%mul3A_2] : memref<65536xi32, #tpu.memory_space<hbm>> -> memref<2048xi32, #tpu.memory_space<hbm>>
      %dma_wait3A_65 = tpu.memref_slice %arg3[%mul3A_2] : memref<65536xi32, #tpu.memory_space<hbm>> -> memref<2048xi32, #tpu.memory_space<hbm>>
      tpu.wait_dma2 semaphore(%run_scoped3A : memref<!tpu.dma_semaphore, #tpu.memory_space<semaphore_mem>>) src(%arg6 : memref<2048xi32, #tpu.memory_space<vmem>>) dst(%dma_wait3A_65 : memref<2048xi32, #tpu.memory_space<hbm>>)
      tpu.yield
    }) : () -> ()
    "tpu.region"() ({
      %run_scoped3A = tpu.sem_alloc : memref<!tpu.dma_semaphore, #tpu.memory_space<semaphore_mem>>
      %dma_start3A = tpu.memref_slice %arg4[%mul3A_2] : memref<65536xf32, #tpu.memory_space<hbm>> -> memref<2048xf32, #tpu.memory_space<hbm>>
      %dma_start3A_64 = tpu.memref_slice %arg4[%mul3A_2] : memref<65536xf32, #tpu.memory_space<hbm>> -> memref<2048xf32, #tpu.memory_space<hbm>>
      tpu.enqueue_dma source(%arg7 : memref<2048xf32, #tpu.memory_space<vmem>>) target(%dma_start3A_64 : memref<2048xf32, #tpu.memory_space<hbm>>) target_semaphore(%run_scoped3A : memref<!tpu.dma_semaphore, #tpu.memory_space<semaphore_mem>>)
      %dma_wait3A = tpu.memref_slice %arg4[%mul3A_2] : memref<65536xf32, #tpu.memory_space<hbm>> -> memref<2048xf32, #tpu.memory_space<hbm>>
      %dma_wait3A_65 = tpu.memref_slice %arg4[%mul3A_2] : memref<65536xf32, #tpu.memory_space<hbm>> -> memref<2048xf32, #tpu.memory_space<hbm>>
      tpu.wait_dma2 semaphore(%run_scoped3A : memref<!tpu.dma_semaphore, #tpu.memory_space<semaphore_mem>>) src(%arg7 : memref<2048xf32, #tpu.memory_space<vmem>>) dst(%dma_wait3A_65 : memref<2048xf32, #tpu.memory_space<hbm>>)
      tpu.yield
    }) : () -> ()
    return
  }
}

module attributes {stable_mosaic.version = 14 : i64} {
  func.func @_merge_body(%arg0: i32, %arg1: memref<256x512xf32, #tpu.memory_space<vmem>>, %arg2: memref<512x256xf32, #tpu.memory_space<vmem>>, %arg3: memref<1x1x512xf32, #tpu.memory_space<vmem>>, %arg4: memref<256x512xf32, #tpu.memory_space<vmem>>) attributes {dimension_semantics = [#tpu.dimension_semantics<arbitrary>], iteration_bounds = array<i64: 128>, scalar_prefetch = 0 : i64, scratch_operands = 0 : i64, tpu.core_type = #tpu.core_type<tc>, window_params = [{transform_indices = @transform_0, window_bounds = array<i64: 256, 512>}, {transform_indices = @transform_1, window_bounds = array<i64: 512, 256>}, {transform_indices = @transform_2, window_bounds = array<i64: 1, 1, 512>}, {transform_indices = @transform_3, window_bounds = array<i64: 256, 512>}]} {
    %get3A = arith.constant 0 : index
    %get3A_0 = arith.constant 0 : index
    %get3A_1 = arith.constant 0 : index
    %get3A_2 = vector.load %arg3[%get3A, %get3A_0, %get3A_1] : memref<1x1x512xf32, #tpu.memory_space<vmem>>, vector<1x1x512xf32>
    %get3A_3 = vector.shape_cast %get3A_2 : vector<1x1x512xf32> to vector<1x512xf32>
    %ne3A = arith.constant 0.000000e+00 : f32
    %ne3A_4 = vector.broadcast %ne3A : f32 to vector<1x512xf32>
    %ne3A_5 = arith.cmpf one, %get3A_3, %ne3A_4 : vector<1x512xf32>
    %get3A_6 = arith.constant 0 : index
    %get3A_7 = arith.constant 0 : index
    %get3A_8 = vector.load %arg2[%get3A_6, %get3A_7] : memref<512x256xf32, #tpu.memory_space<vmem>>, vector<512x256xf32>
    %transpose3A = tpu.transpose %get3A_8, [1, 0] : vector<512x256xf32> -> vector<256x512xf32>
    %get3A_9 = arith.constant 0 : index
    %get3A_10 = arith.constant 0 : index
    %get3A_11 = vector.load %arg1[%get3A_9, %get3A_10] : memref<256x512xf32, #tpu.memory_space<vmem>>, vector<256x512xf32>
    %broadcast_in_dim3A = vector.shape_cast %ne3A_5 : vector<1x512xi1> to vector<1x512xi1>
    %broadcast_in_dim3A_12 = vector.broadcast %broadcast_in_dim3A : vector<1x512xi1> to vector<256x512xi1>
    %select_n3A = arith.select %broadcast_in_dim3A_12, %transpose3A, %get3A_11 : vector<256x512xi1>, vector<256x512xf32>
    %swap3A = arith.constant 0 : index
    %swap3A_13 = arith.constant 0 : index
    %swap3A_14 = vector.load %arg4[%swap3A, %swap3A_13] : memref<256x512xf32, #tpu.memory_space<vmem>>, vector<256x512xf32>
    tpu.vector_store %arg4[%swap3A, %swap3A_13], %select_n3A {strides = array<i32>} : memref<256x512xf32, #tpu.memory_space<vmem>>, vector<256x512xf32>,
    return
  }
  func.func @transform_0(%arg0: i32) -> (i32, i32) {
    %c0_i32 = arith.constant 0 : i32
    %c0_i32_0 = arith.constant 0 : i32
    return %c0_i32, %arg0 : i32, i32
  }
  func.func @transform_1(%arg0: i32) -> (i32, i32) {
    %c0_i32 = arith.constant 0 : i32
    %c0_i32_0 = arith.constant 0 : i32
    return %arg0, %c0_i32 : i32, i32
  }
  func.func @transform_2(%arg0: i32) -> (i32, i32, i32) {
    %c0_i32 = arith.constant 0 : i32
    %c0_i32_0 = arith.constant 0 : i32
    %c0_i32_1 = arith.constant 0 : i32
    return %arg0, %c0_i32, %c0_i32_0 : i32, i32, i32
  }
  func.func @transform_3(%arg0: i32) -> (i32, i32) {
    %c0_i32 = arith.constant 0 : i32
    %c0_i32_0 = arith.constant 0 : i32
    return %c0_i32, %arg0 : i32, i32
  }
}

module attributes {stable_mosaic.version = 14 : i64} {
  func.func @_tr_body(%arg0: i32, %arg1: memref<256x256xf32, #tpu.memory_space<vmem>>, %arg2: memref<256x256xf32, #tpu.memory_space<vmem>>) attributes {dimension_semantics = [#tpu.dimension_semantics<arbitrary>], iteration_bounds = array<i64: 64>, scalar_prefetch = 0 : i64, scratch_operands = 0 : i64, tpu.core_type = #tpu.core_type<tc>, window_params = [{transform_indices = @transform_0, window_bounds = array<i64: 256, 256>}, {transform_indices = @transform_1, window_bounds = array<i64: 256, 256>}]} {
    %get3A = arith.constant 0 : index
    %get3A_0 = arith.constant 0 : index
    %get3A_1 = vector.load %arg1[%get3A, %get3A_0] : memref<256x256xf32, #tpu.memory_space<vmem>>, vector<256x256xf32>
    %transpose3A = tpu.transpose %get3A_1, [1, 0] : vector<256x256xf32> -> vector<256x256xf32>
    %swap3A = arith.constant 0 : index
    %swap3A_2 = arith.constant 0 : index
    %swap3A_3 = vector.load %arg2[%swap3A, %swap3A_2] : memref<256x256xf32, #tpu.memory_space<vmem>>, vector<256x256xf32>
    tpu.vector_store %arg2[%swap3A, %swap3A_2], %transpose3A {strides = array<i32>} : memref<256x256xf32, #tpu.memory_space<vmem>>, vector<256x256xf32>,
    return
  }
  func.func @transform_0(%arg0: i32) -> (i32, i32) {
    %c0_i32 = arith.constant 0 : i32
    %c0_i32_0 = arith.constant 0 : i32
    return %c0_i32, %arg0 : i32, i32
  }
  func.func @transform_1(%arg0: i32) -> (i32, i32) {
    %c0_i32 = arith.constant 0 : i32
    %c0_i32_0 = arith.constant 0 : i32
    return %arg0, %c0_i32 : i32, i32
  }
}

</mosaic_0001>

<sc_bundles>
// kernel: kernel.6.cloned.1.call-start
scs
__scs_entry_jumppad:
0x0: {  	(pc) =	sbr.rel $0x88, $3  }
0x1: {  	(tag) =	ssettag $0x0;
	lr =	simm.s32 $0x1  }
0x2: {  	[smem:$0x3F9E] =	sst lr;
	_ =	strace $0xD0000000  }
0x3: {  	_ = 	snop  }
0x4: {  	_ = 	snop  }
0x5: {  	_ = 	snop  }
0x6: {  	_ = 	snop  }
0x7: {  	_ = 	snop  }
__scs_overlays_trampoline_lowered:
0x8: {  	[smem:$0x3FAD] =	sst s0  }
0x9: {  	[smem:$0x3FAE] =	sst s1  }
0xa: {  	[smem:$0x3FAF] =	sst s2  }
0xb: {  	[smem:$0x3FB0] =	sst s3  }
0xc: {  	[smem:$0x3FB1] =	sst s4  }
0xd: {  	[smem:$0x3FB2] =	sst s5  }
0xe: {  	[smem:$0x3FB3] =	sst s6  }
0xf: {  	[smem:$0x3FB4] =	sst s7  }
0x10: {  	[smem:$0x3FB5] =	sst s8  }
0x11: {  	[smem:$0x3FB6] =	sst s9;
	s0 =	simm.s32 @!p0 $0x0  }
0x12: {  	s1 =	sld [smem:$0x3F9C];
	s0 =	simm.s32 @p0 $0x1  }
0x13: {  	[smem:$0x3FB7] =	sst s0;
	s0 =	simm.s32 @!p1 $0x0  }
0x14: {  	s2 =	sld [smem:$0x3F9B];
	s0 =	simm.s32 @p1 $0x1  }
0x15: {  	[smem:$0x3FB8] =	sst s0;
	s0 =	simm.s32 @!p2 $0x0  }
0x16: {  	s3 =	sld [smem:$0x3FDB];
	s0 =	simm.s32 @p2 $0x1  }
0x17: {  	s4 =	simm.s32 $0x1BF5;
	[smem:$0x3FBA] =	sst s0  }
0x18: {  	s0 =	sld [smem:$0x3F9D];
	_ =	swait.ge [sflag:s4], $0x0  }
0x19: {  	s7 =	sld [smem:$0x3F9E]  }
0x1a: {  	s8 =	sadd.s32 $0xFFFFE003, lr  }
0x1b: {  	s9 =	sadd.s32 $0xFFFFFEF7, lr;
	s5 =	simm.s32 $0xFFFFFFFF;
	p2 =	slt.u32 s8, $0xFFFFF086  }
0x1c: {  	p1 =	slt.u32 s9, $0xF7A;
	s5 =	simm.s32 @!p2 $0x0  }
0x1d: {  	s5 =	simm.s32 @p1 $0x1;
	p0 =	seq.s32 s7, s2  }
0x1e: {  	s7 =	smul.u32 @!p0 $0xF7A, s2;
	p2 =	seq.s32 @!p0 s5, $0x0  }
0x1f: {  	s9 =	smul.u32 $0xF7A, s1;
	s8 =	simm.s32 @!p0 $0x1BF5;
	p2 =	por !p2, p0  }
0x20: {  	[sflag:s8] =	ssyncset.s32 @!p0 $0xFFFFF086;
	s6 =	sadd.s32 @!p0 s3, s7;
	s7 =	simm.s32 @!p0 $0x108  }
0x21: {  	s3 =	sadd.s32 s3, s9;
	s6 =	sadd.s32 @!p0 $0x88, s6;
	s7 =	simm.s32 @p2 $0x1082  }
0x22: {  	[simem:s7], [sflag:s8] =	dma.local @!p0 [hbm:s6], $0xF7A  }
0x23: {  	s9 =	sor.u32 $0xD0000000, s2;
	s6 =	simm.s32 $0x108;
	_ =	swait.ge @!p0 [sflag:s8], $0x0  }
0x24: {  	s3 =	sadd.s32 $0x88, s3;
	s6 =	simm.s32 @!p1 $0x1082;
	[sflag:s4] =	ssyncset.s32 $0xFFFFF086  }
0x25: {  	[simem:s6], [sflag:s4] =	dma.local [hbm:s3], $0xF7A  }
0x26: {  	[smem:$0x3F9E] =	sst s1;
	(tag) =	ssettag s2;
	_ =	strace s9  }
0x27: {  	s1 =	sld [smem:$0x3FAE]  }
0x28: {  	s2 =	sld [smem:$0x3FAF]  }
0x29: {  	s4 =	sld [smem:$0x3FB1]  }
0x2a: {  	p0 =	seq.s32 s5, $0x0;
	s5 =	sld [smem:$0x3FB2]  }
0x2b: {  	s6 =	sld [smem:$0x3FB3]  }
0x2c: {  	s7 =	sld [smem:$0x3FB4]  }
0x2d: {  	s3 =	simm.s32 $0x108;
	s8 =	sld [smem:$0x3FB5]  }
0x2e: {  	s3 =	simm.s32 @!p0 $0x1082;
	s9 =	sld [smem:$0x3FB6]  }
0x2f: {  	lr =	sadd.s32 s0, s3;
	s0 =	sld [smem:$0x3FAD]  }
0x30: {  	s3 =	sld [smem:$0x3FB0]  }
0x31: {  	[smem:$0x3FB9] =	sst s10  }
0x32: {  	s10 =	sld [smem:$0x3FB7];
	_ =	sdelay $0x3  }
0x33: {  	p0 =	seq.s32 s10, $0x1;
	s10 =	sld [smem:$0x3FB9];
	_ =	sdelay $0x3  }
0x34: {  	[smem:$0x3FB9] =	sst s10  }
0x35: {  	s10 =	sld [smem:$0x3FB8];
	_ =	sdelay $0x3  }
0x36: {  	p1 =	seq.s32 s10, $0x1;
	s10 =	sld [smem:$0x3FB9];
	_ =	sdelay $0x3  }
0x37: {  	[smem:$0x3FB9] =	sst s10  }
0x38: {  	s10 =	sld [smem:$0x3FBA]  }
0x39: {  	_ = 	snop;
	(pc) =	sbr.ind lr, $3  }
0x3a: {  	_ = 	snop  }
0x3b: {  	_ = 	snop  }
0x3c: {  	p2 =	seq.s32 s10, $0x1;
	s10 =	sld [smem:$0x3FB9]  }
0x3d: {  	_ =	shalt  }
0x3e: {  	_ =	shalt  }
0x3f: {  	_ =	shalt  }
0x40: {  	_ =	shalt  }
0x41: {  	_ =	shalt  }
0x42: {  	_ =	shalt  }
0x43: {  	_ =	shalt  }
0x44: {  	_ =	shalt  }
0x45: {  	_ =	shalt  }
0x46: {  	_ =	shalt  }
0x47: {  	_ =	shalt  }
0x48: {  	_ =	shalt  }
0x49: {  	_ =	shalt  }
0x4a: {  	_ =	shalt  }
0x4b: {  	_ =	shalt  }
0x4c: {  	_ =	shalt  }
0x4d: {  	_ =	shalt  }
0x4e: {  	_ =	shalt  }
0x4f: {  	_ =	shalt  }
0x50: {  	_ =	shalt  }
0x51: {  	_ =	shalt  }
0x52: {  	_ =	shalt  }
0x53: {  	_ =	shalt  }
0x54: {  	_ =	shalt  }
0x55: {  	_ =	shalt  }
0x56: {  	_ =	shalt  }
0x57: {  	_ =	shalt  }
0x58: {  	_ =	shalt  }
0x59: {  	_ =	shalt  }
0x5a: {  	_ =	shalt  }
0x5b: {  	_ =	shalt  }
0x5c: {  	_ =	shalt  }
0x5d: {  	_ =	shalt  }
0x5e: {  	_ =	shalt  }
0x5f: {  	_ =	shalt  }
0x60: {  	_ =	shalt  }
0x61: {  	_ =	shalt  }
0x62: {  	_ =	shalt  }
0x63: {  	_ =	shalt  }
0x64: {  	_ =	shalt  }
0x65: {  	_ =	shalt  }
0x66: {  	_ =	shalt  }
0x67: {  	_ =	shalt  }
0x68: {  	_ =	shalt  }
0x69: {  	_ =	shalt  }
0x6a: {  	_ =	shalt  }
0x6b: {  	_ =	shalt  }
0x6c: {  	_ =	shalt  }
0x6d: {  	_ =	shalt  }
0x6e: {  	_ =	shalt  }
0x6f: {  	_ =	shalt  }
0x70: {  	_ =	shalt  }
0x71: {  	_ =	shalt  }
0x72: {  	_ =	shalt  }
0x73: {  	_ =	shalt  }
0x74: {  	_ =	shalt  }
0x75: {  	_ =	shalt  }
0x76: {  	_ =	shalt  }
0x77: {  	_ =	shalt  }
0x78: {  	_ =	shalt  }
0x79: {  	_ =	shalt  }
0x7a: {  	_ =	shalt  }
0x7b: {  	_ =	shalt  }
0x7c: {  	_ =	shalt  }
0x7d: {  	_ =	shalt  }
0x7e: {  	_ =	shalt  }
0x7f: {  	_ =	shalt  }
0x80: {  	_ =	shalt  }
0x81: {  	_ =	shalt  }
0x82: {  	_ =	shalt  }
0x83: {  	_ =	shalt  }
0x84: {  	_ =	shalt  }
0x85: {  	_ =	shalt  }
0x86: {  	_ =	shalt  }
0x87: {  	_ =	shalt  }
.Lfunc_end0:
.L_simem_size_0:
called_computation.1_lowered:
.L_overlay_start_0:
0x88: {  	s2 =	sld [smem:$0x3FD9]  }
0x89: {  	s3 =	sld [smem:$0x3FFE];
	_ =	sdelay $0x1  }
0x8a: {  	s1 =	srdreg.scid  }
0x8b: {  	s0 =	sand.u32 $0x1, s1  }
0x8c: {  	s17 =	sshll.u32 s0, $0xA;
	s2 =	sadd.s32 s3, s2  }
0x8d: {  	s2 =	sadd.s32 s2, s17  }
0x8e: {  	[smem:$0x3FC5] =	sst s2  }
0x8f: {  	_ = 	snop  }
0x90: {  	s2 =	sld [smem:$0x3FC7];
	(tm) =	ssettm $0x1  }
0x91: {  	s18 =	sld [smem:$0x3FFB];
	_ =	sdelay $0x3  }
0x92: {  	_ =	strace s18  }
0x93: {  	s3 =	sld [smem:$0x3FFC];
	_ =	sdelay $0x3  }
0x94: {  	_ =	strace s3  }
0x95: {  	s3 =	sld [smem:$0x3FFD];
	_ =	sdelay $0x3  }
0x96: {  	_ =	strace s3  }
0x97: {  	_ =	strace $0x8FFFFFFF  }
0x98: {  	s19 =	sld [smem:$0x3FDB];
	_ =	sdelay $0x1  }
0x99: {  	s4 =	simm.s32 $_scs_section_size  }
0x9a: {  	s5 =	simm.s32 $_size__tile_overlayer_lowered;
	s6 =	simm.s32 $_tile_overlayer_lowered  }
0x9b: {  	s22 =	simm.s32 $0x1BFF;
	s21 =	sshll.u32 s6, $0x1;
	s3 =	sadd.s32 s4, s19  }
0x9c: {  	s7 =	simm.s32 $0x0;
	s20 =	sshll.u32 s5, $0x1;
	s5 =	sadd.s32 s21, s3  }
0x9d: {  	[timem:s7], [sflag:s22] =	dma.local [hbm:s5], s20  }
0x9e: {  	_ =	swait.ge [sflag:s22], s20  }
0x9f: {  	s4 =	ssub.s32 $0x0, s20;
	[sflag:s22] =	ssyncset.done $0x0  }
0xa0: {  	[sflag:s22] =	ssyncadd.s32 s4;
	_ =	sdelay $0x1  }
0xa1: {  	s23 =	simm.s32 $0x1B8B  }
0xa2: {  	_ =	swait.ge [sflag:s23], $0x1  }
0xa3: {  	[sflag:s23] =	ssyncset.done $0x0  }
0xa4: {  	s25 =	simm.s32 $0x1B8E;
	s24 =	sld [smem:$0x3FFE];
	[sflag:s23] =	ssyncadd.s32 $0xFFFFFFFF  }
0xa5: {  	s26 =	simm.s32 $execute0_lowered;
	[smem:$0x3FD2] =	sst s25  }
0xa6: {  	s5 =	sshll.u32 s26, $0x1;
	_ =	strace $0x80000046;
	[dreg:$0x1] =	wrdreg $0xFFFFFFFF  }
0xa7: {  	s28 =	simm.s32 $_size_execute0_lowered;
	s3 =	sadd.s32 s3, s5;
	[dreg:$0x0] =	wrdreg $0x0  }
0xa8: {  	s5 =	sshll.u32 s28, $0x1;
	[dreg:$0x2] =	wrdreg s3  }
0xa9: {  	[dreg:$0x3] =	wrdreg s5  }
0xaa: {  	[dreg:$0x4] =	wrdreg $0xC0  }
0xab: {  	_ =	task [dreg:s7], $0x5FFFF  }
0xac: {  	[dreg:$0x1] =	wrdreg $0xFFFFFFFF  }
0xad: {  	[dreg:$0x0] =	wrdreg $0x60  }
0xae: {  	[dreg:$0x2] =	wrdreg s2  }
0xaf: {  	[dreg:$0x3] =	wrdreg s24  }
0xb0: {  	[dreg:$0x4] =	wrdreg $0x9  }
0xb1: {  	_ =	task.clear_ibuf [dreg:s7], $0x5FFFF;
	_ =	strace $0x90000046  }
0xb2: {  	s29 =	simm.s32 $0x9;
	_ =	strace $0x80000048  }
0xb3: {  	_ =	swait.ge [sflag:s29], $0x1  }
0xb4: {  	[sflag:s29] =	ssyncadd.s32 $0xFFFFFFFF  }
0xb5: {  	_ =	strace $0x90000048  }
0xb6: {  	_ =	sfence  }
0xb7: {  	s30 =	sld [smem:$0x0];
	_ =	sdelay $0x2  }
0xb8: {  	s31 =	sshll.u32 s1, $0xD;
	s1 =	sshrl.u32 s1, $0x2  }
0xb9: {  	s3 =	sand.u32 $0x4000, s31;
	s1 =	sadd.s32 s1, s30  }
0xba: {  	s0 =	sor.u32 s3, s0;
	s1 =	sshll.u32 s1, $0x11  }
0xbb: {  	s0 =	sor.u32 s1, s0  }
0xbc: {  	s0 =	sadd.s32 $0x8F2B, s0  }
0xbd: {  	[sflag:s0] =	ssyncadd.remote.s32 $0x1  }
0xbe: {  	_ =	sfence.sel $0xFFFF  }
0xbf: {  	[dreg:$0x0] =	wrdreg $0xFFFFFFFF;
	(pc) =	sbr.abs _section_cstart, $3  }
0xc0: {  	[dreg:$0x1] =	wrdreg $0xFFFFFFFF  }
0xc1: {  	_ =	task.clear_ibuf [dreg:s7], $0x2FFFF;
	_ =	strace $0x9FFFFFFF  }
0xc2: {  	(tm) =	ssettm $0x7FFFFFFF  }
0xc3: {  	_ =	shalt  }
tec
execute0_lowered:
.L_overlay_start_1:
0x0: {  	(tag) =	ssettag $0x1  }
0x1: {  	s1 =	srdreg.scid  }
0x2: {  	s0 =	stileid.u32;
	s6 =	rddreg [dreg:$0x1];
	s3 =	simm.s32 $0x0  }
0x3: {  	v2 =	vimm.f32 $0.0e+00;
	s7 =	simm.s32 $0x1;
	s8 =	simm.s32 $0x4800;
	s4 =	sand.u32 $0x1, s1  }
0x4: {  	v3 =	vimm.s32 $0x0;
	v4 =	vlaneseq.u32;
	v5 =	vimm.f32 $1.000000000e+00;
	s9 =	simm.s32 $0x4000;
	s30 =	sshll.u32 s0, $0xC;
	s2 =	sshll.u32 s4, $0xB  }
0x5: {  	vm8 =	vmmov $0x1;
	vm3 =	vcmask $0x704;
	vm4 =	vcmask $0xB08;
	s10 =	simm.s32 $0x0;
	s1 =	rddreg [dreg:$0x0];
	s5 =	sor.u32 s2, s30  }
0x6: {  	vm5 =	vcmask $0xF0C;
	vm6 =	vcmask $0x1310;
	vm7 =	vcmask $0x1714;
	[smem:$0x7FF] =	sst s3;
	s4 =	ssub.s32 $0x2, s4;
	s2 =	sadd.s32 $0x800, s5  }
0x7: {  	vm13 =	vcmask $0x1B18;
	s31 =	sshrl.u32 s4, $0x1;
	v0 =	vmov s5;
	s5 =	sshrl.u32 s5, $0x3;
	v1 =	vmov s2;
	s2 =	rddreg [dreg:$0x2]  }
0x8: {  	vm14 =	vcmask $0x1F1C;
	vm15 =	vcmask $0x2320;
	vm2 =	vcmask $0x2F2C;
	s5 =	sadd.s32 s5, s6;
	_ =	strace $0x80000047;
	s6 =	ssub.s32 s4, s31  }
0x9: {  	vm9 =	vcmask $0x3330;
	vm10 =	vcmask $0x3734;
	vm11 =	vcmask $0x3B38;
	s4 =	sadd.s32 $0x1400, s5;
	s5 =	sadd.s32 $0x3400, s5;
	s6 =	smax.u32 s6, $0x1  }
.LBB2_1:
0xa: {  	[tilespmem:s3], [sflag:$0x1] =	stream.linear.gather [hbm4b:s1+s3], $0x4000, $0x38;
	[tilespmem:$0x5000] =	vst v63  }
0xb: {  	_ =	swait.ge [sflag:s7], $0x4000  }
0xc: {  	[sflag:s7] =	ssyncset.done $0x0  }
0xd: {  	s11 =	simm.s32 $0x0;
	[sflag:s7] =	ssyncadd.s32 $0xFFFFC000  }
.LBB2_2:
0xe: {  	p0 =	sne.s32 s11, $0x1FC0  }
.Ltmp0:
0xf: {  	_ = 	snop;
	(pc) =	sbr.rel @p0 .LBB2_2-.Ltmp0, $4  }
0x10: {  	_ = 	snop  }
0x11: {  	s12 =	sshra.s32 s11, $0x2  }
0x12: {  	[tilespmem:s12+$0x4800] =	vst v2  }
0x13: {  	s11 =	sadd.s32 $0x40, s11;
	[tilespmem:s12+$0x4000] =	vst v3  }
0x14: {  	s11 =	simm.s32 $0x0  }
0x15: {  	v6 =	vld [tilespmem:s11+$0x0];
	_ =	sdelay $0x4  }
0x16: {  	v7 =	vsub.s32 v6, v0;
	vm12 =	vge.s32 v6, v0  }
0x17: {  	vm1 =	vlt.s32 v6, v1;
	v6 =	vimm.s32 $0x0;
	vm0 =	vgt.s32 v7, $0x0  }
0x18: {  	v6 =	vsel vm0, $0xFFFFFFFF, v6  }
0x19: {  	[tilespmem:$0x1FF50] =	vst v6  }
0x1a: {  	v6 =	vld [tilespmem:$0x1FF50];
	_ =	sdelay $0x4  }
0x1b: {  	vm1 =	vmand vm12, vm1;
	vm0 =	vnez.u8 v6  }
0x1c: {  	vm12 =	vmand vm1, vm8;
	v6 =	vnsel vm0, $0x0, v7;
	v7 =	vimm.s32 $0x0  }
0x1d: {  	v7 =	vsel vm12, $0xFFFFFFFF, v7  }
0x1e: {  	vm12 =	vmand vm1, vm3;
	[tilespmem:$0x1FF60] =	vst v7;
	v7 =	vimm.s32 $0x0  }
0x1f: {  	v7 =	vsel vm12, $0xFFFFFFFF, v7  }
0x20: {  	vm12 =	vmand vm1, vm4;
	[tilespmem:$0x1FF70] =	vst v7;
	v7 =	vimm.s32 $0x0  }
0x21: {  	v7 =	vsel vm12, $0xFFFFFFFF, v7  }
0x22: {  	vm12 =	vmand vm1, vm5;
	[tilespmem:$0x1FF80] =	vst v7;
	v7 =	vimm.s32 $0x0  }
0x23: {  	v7 =	vsel vm12, $0xFFFFFFFF, v7  }
0x24: {  	vm12 =	vmand vm1, vm6;
	[tilespmem:$0x1FF90] =	vst v7;
	v7 =	vimm.s32 $0x0  }
0x25: {  	v8 =	vimm.s32 $0x0;
	v7 =	vsel vm12, $0xFFFFFFFF, v7;
	vm12 =	vmand vm1, vm7  }
0x26: {  	v8 =	vsel vm12, $0xFFFFFFFF, v8  }
0x27: {  	[tilespmem:$0x1FFB0] =	vst v8;
	v8 =	vld [tilespmem:$0x1FF60];
	_ =	sdelay $0x3  }
0x28: {  	v6 =	vmin.u32 v6, $0x7FF  }
0x29: {  	vm12 =	vnez.u8 v8;
	_ =	sdelay $0x3  }
0x2a: {  	[tilespmem:v6+s8+$0x0] =	vst.idx.msk vm1, v5  }
0x2b: {  	[tilespmem:$0x1FFA0] =	vst v7;
	v7 =	vor.u32 s11, v4  }
0x2c: {  	v8 =	vimm.s32 $0x0;
	[tilespmem:v6+s9+$0x0] =	vst.idx.msk vm12, v7;
	vm12 =	vmand vm1, vm13  }
0x2d: {  	v8 =	vsel vm12, $0xFFFFFFFF, v8  }
0x2e: {  	[tilespmem:$0x1FFC0] =	vst v8;
	v8 =	vld [tilespmem:$0x1FF70];
	_ =	sdelay $0x4  }
0x2f: {  	vm12 =	vnez.u8 v8;
	_ =	sdelay $0x5  }
0x30: {  	v8 =	vimm.s32 $0x0;
	[tilespmem:v6+s9+$0x0] =	vst.idx.msk vm12, v7;
	vm12 =	vmand vm1, vm14  }
0x31: {  	v8 =	vsel vm12, $0xFFFFFFFF, v8  }
0x32: {  	[tilespmem:$0x1FFD0] =	vst v8;
	v8 =	vld [tilespmem:$0x1FF80];
	_ =	sdelay $0x4  }
0x33: {  	vm12 =	vnez.u8 v8;
	_ =	sdelay $0x5  }
0x34: {  	v8 =	vimm.s32 $0x0;
	[tilespmem:v6+s9+$0x0] =	vst.idx.msk vm12, v7;
	vm12 =	vmand vm1, vm15  }
0x35: {  	v8 =	vsel vm12, $0xFFFFFFFF, v8  }
0x36: {  	[tilespmem:$0x1FFE0] =	vst v8;
	v8 =	vld [tilespmem:$0x1FF90];
	_ =	sdelay $0x4  }
0x37: {  	vm12 =	vnez.u8 v8;
	_ =	sdelay $0x5  }
0x38: {  	[tilespmem:v6+s9+$0x0] =	vst.idx.msk vm12, v7;
	vm12 =	vcmask $0x2724  }
0x39: {  	v8 =	vimm.s32 $0x0;
	vm12 =	vmand vm1, vm12  }
0x3a: {  	v8 =	vsel vm12, $0xFFFFFFFF, v8  }
0x3b: {  	[tilespmem:$0x1FFF0] =	vst v8;
	v8 =	vld [tilespmem:$0x1FFA0];
	_ =	sdelay $0x4  }
0x3c: {  	vm12 =	vnez.u8 v8  }
0x3d: {  	v8 =	vld [tilespmem:$0x1FFB0];
	_ =	sdelay $0x3  }
0x3e: {  	vm0 =	vcmask $0x2B28  }
0x3f: {  	[tilespmem:v6+s9+$0x0] =	vst.idx.msk vm12, v7;
	vm12 =	vmand vm1, vm0;
	vm0 =	vnez.u8 v8  }
0x40: {  	v8 =	vld [tilespmem:$0x1FFC0];
	_ =	sdelay $0x4  }
0x41: {  	[tilespmem:v6+s9+$0x0] =	vst.idx.msk vm0, v7;
	vm0 =	vnez.u8 v8  }
0x42: {  	v8 =	vld [tilespmem:$0x1FFD0];
	_ =	sdelay $0x4  }
0x43: {  	[tilespmem:v6+s9+$0x0] =	vst.idx.msk vm0, v7;
	vm0 =	vnez.u8 v8  }
0x44: {  	v8 =	vld [tilespmem:$0x1FFE0];
	_ =	sdelay $0x4  }
0x45: {  	[tilespmem:v6+s9+$0x0] =	vst.idx.msk vm0, v7;
	vm0 =	vnez.u8 v8  }
0x46: {  	v8 =	vld [tilespmem:$0x1FFF0];
	_ =	sdelay $0x4  }
0x47: {  	[tilespmem:v6+s9+$0x0] =	vst.idx.msk vm0, v7;
	vm0 =	vnez.u8 v8;
	_ =	sdelay $0x1  }
0x48: {  	vm2 =	vmand vm1, vm2  }
0x49: {  	vm9 =	vmand vm1, vm9  }
0x4a: {  	vm10 =	vmand vm1, vm10  }
0x4b: {  	vm11 =	vmand vm1, vm11  }
0x4c: {  	[tilespmem:v6+s9+$0x0] =	vst.idx.msk vm0, v7;
	vm0 =	vcmask $0x3F3C  }
0x4d: {  	[tilespmem:v6+s9+$0x0] =	vst.idx.msk vm12, v7;
	vm1 =	vmand vm1, vm0  }
0x4e: {  	[tilespmem:v6+s9+$0x0] =	vst.idx.msk vm2, v7  }
0x4f: {  	[tilespmem:v6+s9+$0x0] =	vst.idx.msk vm9, v7  }
0x50: {  	[tilespmem:v6+s9+$0x0] =	vst.idx.msk vm10, v7  }
0x51: {  	s12 =	simm.s32 $0x10;
	[tilespmem:v6+s9+$0x0] =	vst.idx.msk vm11, v7  }
.LBB2_4:
0x52: {  	p0 =	sne.s32 s12, $0x3FF0  }
0x53: {  	[tilespmem:v6+s9+$0x0] =	vst.idx.msk vm1, v7;
	s11 =	sadd.s32 $0x10, s11;
	s13 =	smov.u32 s12;
	s12 =	sadd.s32 $0x10, s12  }
0x54: {  	v6 =	vld [tilespmem:s11+$0x0];
	_ =	sdelay $0x4  }
0x55: {  	vm1 =	vge.s32 v6, v0;
	vm2 =	vlt.s32 v6, v1;
	v6 =	vsub.s32 v6, v0  }
0x56: {  	vm1 =	vmand vm1, vm2;
	vm2 =	vgt.s32 v6, $0x0  }
0x57: {  	v6 =	vnsel vm2, $0x0, v6  }
0x58: {  	vm2 =	vmand vm1, vm8;
	v6 =	vmin.u32 v6, $0x7FF  }
0x59: {  	vm0 =	vmmov vm8;
	vm8 =	vmmov vm3;
	vm3 =	vmand vm1, vm3  }
0x5a: {  	vm9 =	vmmov vm4;
	vm4 =	vmand vm1, vm4  }
0x5b: {  	vm10 =	vmand vm1, vm5  }
0x5c: {  	vm11 =	vmand vm1, vm6  }
0x5d: {  	v7 =	vor.u32 s13, v4;
	vm12 =	vmand vm1, vm7;
	[tilespmem:v6+s8+$0x0] =	vst.idx.msk vm1, v5  }
0x5e: {  	[tilespmem:v6+s9+$0x0] =	vst.idx.msk vm2, v7;
	vm2 =	vmand vm1, vm13  }
0x5f: {  	[tilespmem:v6+s9+$0x0] =	vst.idx.msk vm3, v7;
	vm3 =	vmand vm1, vm14  }
0x60: {  	[tilespmem:v6+s9+$0x0] =	vst.idx.msk vm4, v7;
	vm4 =	vmand vm1, vm15  }
0x61: {  	[tilespmem:v6+s9+$0x0] =	vst.idx.msk vm10, v7;
	vm10 =	vcmask $0x2724  }
0x62: {  	vm10 =	vmand vm1, vm10  }
0x63: {  	[tilespmem:v6+s9+$0x0] =	vst.idx.msk vm11, v7;
	vm11 =	vcmask $0x2B28  }
0x64: {  	vm11 =	vmand vm1, vm11  }
0x65: {  	[tilespmem:v6+s9+$0x0] =	vst.idx.msk vm12, v7;
	vm12 =	vcmask $0x2F2C  }
0x66: {  	vm12 =	vmand vm1, vm12  }
0x67: {  	[tilespmem:v6+s9+$0x0] =	vst.idx.msk vm2, v7;
	vm2 =	vcmask $0x3330  }
0x68: {  	vm2 =	vmand vm1, vm2  }
0x69: {  	[tilespmem:v6+s9+$0x0] =	vst.idx.msk vm3, v7;
	vm3 =	vcmask $0x3734  }
0x6a: {  	vm3 =	vmand vm1, vm3  }
0x6b: {  	[tilespmem:v6+s9+$0x0] =	vst.idx.msk vm4, v7;
	vm4 =	vcmask $0x3B38  }
0x6c: {  	vm4 =	vmand vm1, vm4  }
0x6d: {  	[tilespmem:v6+s9+$0x0] =	vst.idx.msk vm10, v7;
	vm10 =	vcmask $0x3F3C  }
0x6e: {  	vm1 =	vmand vm1, vm10  }
.Ltmp1:
0x6f: {  	[tilespmem:v6+s9+$0x0] =	vst.idx.msk vm11, v7;
	(pc) =	sbr.rel @p0 .LBB2_4-.Ltmp1, $4  }
0x70: {  	[tilespmem:v6+s9+$0x0] =	vst.idx.msk vm12, v7  }
0x71: {  	[tilespmem:v6+s9+$0x0] =	vst.idx.msk vm2, v7  }
0x72: {  	[tilespmem:v6+s9+$0x0] =	vst.idx.msk vm3, v7;
	vm3 =	vmmov vm8;
	vm8 =	vmmov vm0  }
0x73: {  	[tilespmem:v6+s9+$0x0] =	vst.idx.msk vm4, v7;
	vm4 =	vmmov vm9  }
0x74: {  	_ =	sdelay $0x4  }
0x75: {  	[tilespmem:v6+s9+$0x0] =	vst.idx.msk vm1, v7  }
0x76: {  	[hbm4b:s4+s3] =	stream.linear.scatter [tilespmem:s9], [sflag:$0x1], $0x800, $0x38;
	[tilespmem:$0x5000] =	vst v63  }
0x77: {  	s10 =	sadd.s32 $0x1, s10;
	_ =	swait.ge [sflag:s7], $0x800  }
0x78: {  	p0 =	sne.s32 s10, s6;
	[sflag:s7] =	ssyncset.done $0x0  }
.Ltmp2:
0x79: {  	[sflag:s7] =	ssyncadd.s32 $0xFFFFF800;
	(pc) =	sbr.rel @p0 .LBB2_1-.Ltmp2, $4  }
0x7a: {  	[hbm4b:s5+s3] =	stream.linear.scatter [tilespmem:s8], [sflag:$0x1], $0x800, $0x38;
	[tilespmem:$0x5000] =	vst v63  }
0x7b: {  	_ =	swait.ge [sflag:s7], $0x800  }
0x7c: {  	vm2 =	vcmask $0x2F2C;
	[sflag:s7] =	ssyncset.done $0x0  }
0x7d: {  	vm9 =	vcmask $0x3330;
	vm10 =	vcmask $0x3734;
	vm11 =	vcmask $0x3B38;
	[sflag:s7] =	ssyncadd.s32 $0xFFFFF800  }
0x7e: {  	_ =	sfence.sel $0x180000  }
0x7f: {  	[bflag:$0x0] =	sbarrier.arrive $0xFFFF  }
0x80: {  	p0 =	sne.s32 s0, $0x0;
	_ =	strace $0x90000047  }
0x81: {  	s0 =	sadd.s32 @!p0 $0x100000, s2;
	[bflag:$0x2] =	sbarrier.arrive $0xFFFF  }
0x82: {  	[sflag:s0] =	ssyncadd.tile.s32 @!p0 $0x1;
	_ =	shalt  }
.Lfunc_end2:
_tile_overlayer_lowered:
.L_overlay_start_2:
0x83: {  	(tag) =	ssettag $0x2  }
0x84: {  	s0 =	rddreg [dreg:$0x0];
	s2 =	stileid.u32  }
0x85: {  	s1 =	rddreg [dreg:$0x1];
	p0 =	sne.s32 s2, $0x0  }
0x86: {  	s3 =	rddreg [dreg:$0x2];
	[bflag:$0x3] =	sbarrier.arrive $0xFFFF;
	s2 =	simm.s32 @!p0 $0x1C01  }
0x87: {  	[timem:s3], [sflag:s2] =	dma.local @!p0 [hbm:s0], s1  }
0x88: {  	s0 =	simm.s32 @!p0 $0x1  }
0x89: {  	_ =	swait.ge @!p0 [sflag:s0], s1  }
0x8a: {  	s1 =	ssub.s32 @!p0 $0x0, s1;
	[sflag:s0] =	ssyncset.done @!p0 $0x0  }
0x8b: {  	[sflag:s0] =	ssyncadd.s32 @!p0 s1  }
0x8c: {  	[bflag:$0x3] =	sbarrier.arrive $0xFFFF  }
0x8d: {  	_ =	shalt  }

// kernel: kernel.9.cloned.1.call-start
scs
__scs_entry_jumppad:
0x0: {  	(pc) =	sbr.rel $0x88, $3  }
0x1: {  	(tag) =	ssettag $0x0;
	lr =	simm.s32 $0x1  }
0x2: {  	[smem:$0x3F9E] =	sst lr;
	_ =	strace $0xD0000000  }
0x3: {  	_ = 	snop  }
0x4: {  	_ = 	snop  }
0x5: {  	_ = 	snop  }
0x6: {  	_ = 	snop  }
0x7: {  	_ = 	snop  }
__scs_overlays_trampoline_lowered:
0x8: {  	[smem:$0x3FAD] =	sst s0  }
0x9: {  	[smem:$0x3FAE] =	sst s1  }
0xa: {  	[smem:$0x3FAF] =	sst s2  }
0xb: {  	[smem:$0x3FB0] =	sst s3  }
0xc: {  	[smem:$0x3FB1] =	sst s4  }
0xd: {  	[smem:$0x3FB2] =	sst s5  }
0xe: {  	[smem:$0x3FB3] =	sst s6  }
0xf: {  	[smem:$0x3FB4] =	sst s7  }
0x10: {  	[smem:$0x3FB5] =	sst s8  }
0x11: {  	[smem:$0x3FB6] =	sst s9;
	s0 =	simm.s32 @!p0 $0x0  }
0x12: {  	s1 =	sld [smem:$0x3F9C];
	s0 =	simm.s32 @p0 $0x1  }
0x13: {  	[smem:$0x3FB7] =	sst s0;
	s0 =	simm.s32 @!p1 $0x0  }
0x14: {  	s2 =	sld [smem:$0x3F9B];
	s0 =	simm.s32 @p1 $0x1  }
0x15: {  	[smem:$0x3FB8] =	sst s0;
	s0 =	simm.s32 @!p2 $0x0  }
0x16: {  	s3 =	sld [smem:$0x3FDB];
	s0 =	simm.s32 @p2 $0x1  }
0x17: {  	s4 =	simm.s32 $0x1BF5;
	[smem:$0x3FBA] =	sst s0  }
0x18: {  	s0 =	sld [smem:$0x3F9D];
	_ =	swait.ge [sflag:s4], $0x0  }
0x19: {  	s7 =	sld [smem:$0x3F9E]  }
0x1a: {  	s8 =	sadd.s32 $0xFFFFE003, lr  }
0x1b: {  	s9 =	sadd.s32 $0xFFFFFEF7, lr;
	s5 =	simm.s32 $0xFFFFFFFF;
	p2 =	slt.u32 s8, $0xFFFFF086  }
0x1c: {  	p1 =	slt.u32 s9, $0xF7A;
	s5 =	simm.s32 @!p2 $0x0  }
0x1d: {  	s5 =	simm.s32 @p1 $0x1;
	p0 =	seq.s32 s7, s2  }
0x1e: {  	s7 =	smul.u32 @!p0 $0xF7A, s2;
	p2 =	seq.s32 @!p0 s5, $0x0  }
0x1f: {  	s9 =	smul.u32 $0xF7A, s1;
	s8 =	simm.s32 @!p0 $0x1BF5;
	p2 =	por !p2, p0  }
0x20: {  	[sflag:s8] =	ssyncset.s32 @!p0 $0xFFFFF086;
	s6 =	sadd.s32 @!p0 s3, s7;
	s7 =	simm.s32 @!p0 $0x108  }
0x21: {  	s3 =	sadd.s32 s3, s9;
	s6 =	sadd.s32 @!p0 $0x88, s6;
	s7 =	simm.s32 @p2 $0x1082  }
0x22: {  	[simem:s7], [sflag:s8] =	dma.local @!p0 [hbm:s6], $0xF7A  }
0x23: {  	s9 =	sor.u32 $0xD0000000, s2;
	s6 =	simm.s32 $0x108;
	_ =	swait.ge @!p0 [sflag:s8], $0x0  }
0x24: {  	s3 =	sadd.s32 $0x88, s3;
	s6 =	simm.s32 @!p1 $0x1082;
	[sflag:s4] =	ssyncset.s32 $0xFFFFF086  }
0x25: {  	[simem:s6], [sflag:s4] =	dma.local [hbm:s3], $0xF7A  }
0x26: {  	[smem:$0x3F9E] =	sst s1;
	(tag) =	ssettag s2;
	_ =	strace s9  }
0x27: {  	s1 =	sld [smem:$0x3FAE]  }
0x28: {  	s2 =	sld [smem:$0x3FAF]  }
0x29: {  	s4 =	sld [smem:$0x3FB1]  }
0x2a: {  	p0 =	seq.s32 s5, $0x0;
	s5 =	sld [smem:$0x3FB2]  }
0x2b: {  	s6 =	sld [smem:$0x3FB3]  }
0x2c: {  	s7 =	sld [smem:$0x3FB4]  }
0x2d: {  	s3 =	simm.s32 $0x108;
	s8 =	sld [smem:$0x3FB5]  }
0x2e: {  	s3 =	simm.s32 @!p0 $0x1082;
	s9 =	sld [smem:$0x3FB6]  }
0x2f: {  	lr =	sadd.s32 s0, s3;
	s0 =	sld [smem:$0x3FAD]  }
0x30: {  	s3 =	sld [smem:$0x3FB0]  }
0x31: {  	[smem:$0x3FB9] =	sst s10  }
0x32: {  	s10 =	sld [smem:$0x3FB7];
	_ =	sdelay $0x3  }
0x33: {  	p0 =	seq.s32 s10, $0x1;
	s10 =	sld [smem:$0x3FB9];
	_ =	sdelay $0x3  }
0x34: {  	[smem:$0x3FB9] =	sst s10  }
0x35: {  	s10 =	sld [smem:$0x3FB8];
	_ =	sdelay $0x3  }
0x36: {  	p1 =	seq.s32 s10, $0x1;
	s10 =	sld [smem:$0x3FB9];
	_ =	sdelay $0x3  }
0x37: {  	[smem:$0x3FB9] =	sst s10  }
0x38: {  	s10 =	sld [smem:$0x3FBA]  }
0x39: {  	_ = 	snop;
	(pc) =	sbr.ind lr, $3  }
0x3a: {  	_ = 	snop  }
0x3b: {  	_ = 	snop  }
0x3c: {  	p2 =	seq.s32 s10, $0x1;
	s10 =	sld [smem:$0x3FB9]  }
0x3d: {  	_ =	shalt  }
0x3e: {  	_ =	shalt  }
0x3f: {  	_ =	shalt  }
0x40: {  	_ =	shalt  }
0x41: {  	_ =	shalt  }
0x42: {  	_ =	shalt  }
0x43: {  	_ =	shalt  }
0x44: {  	_ =	shalt  }
0x45: {  	_ =	shalt  }
0x46: {  	_ =	shalt  }
0x47: {  	_ =	shalt  }
0x48: {  	_ =	shalt  }
0x49: {  	_ =	shalt  }
0x4a: {  	_ =	shalt  }
0x4b: {  	_ =	shalt  }
0x4c: {  	_ =	shalt  }
0x4d: {  	_ =	shalt  }
0x4e: {  	_ =	shalt  }
0x4f: {  	_ =	shalt  }
0x50: {  	_ =	shalt  }
0x51: {  	_ =	shalt  }
0x52: {  	_ =	shalt  }
0x53: {  	_ =	shalt  }
0x54: {  	_ =	shalt  }
0x55: {  	_ =	shalt  }
0x56: {  	_ =	shalt  }
0x57: {  	_ =	shalt  }
0x58: {  	_ =	shalt  }
0x59: {  	_ =	shalt  }
0x5a: {  	_ =	shalt  }
0x5b: {  	_ =	shalt  }
0x5c: {  	_ =	shalt  }
0x5d: {  	_ =	shalt  }
0x5e: {  	_ =	shalt  }
0x5f: {  	_ =	shalt  }
0x60: {  	_ =	shalt  }
0x61: {  	_ =	shalt  }
0x62: {  	_ =	shalt  }
0x63: {  	_ =	shalt  }
0x64: {  	_ =	shalt  }
0x65: {  	_ =	shalt  }
0x66: {  	_ =	shalt  }
0x67: {  	_ =	shalt  }
0x68: {  	_ =	shalt  }
0x69: {  	_ =	shalt  }
0x6a: {  	_ =	shalt  }
0x6b: {  	_ =	shalt  }
0x6c: {  	_ =	shalt  }
0x6d: {  	_ =	shalt  }
0x6e: {  	_ =	shalt  }
0x6f: {  	_ =	shalt  }
0x70: {  	_ =	shalt  }
0x71: {  	_ =	shalt  }
0x72: {  	_ =	shalt  }
0x73: {  	_ =	shalt  }
0x74: {  	_ =	shalt  }
0x75: {  	_ =	shalt  }
0x76: {  	_ =	shalt  }
0x77: {  	_ =	shalt  }
0x78: {  	_ =	shalt  }
0x79: {  	_ =	shalt  }
0x7a: {  	_ =	shalt  }
0x7b: {  	_ =	shalt  }
0x7c: {  	_ =	shalt  }
0x7d: {  	_ =	shalt  }
0x7e: {  	_ =	shalt  }
0x7f: {  	_ =	shalt  }
0x80: {  	_ =	shalt  }
0x81: {  	_ =	shalt  }
0x82: {  	_ =	shalt  }
0x83: {  	_ =	shalt  }
0x84: {  	_ =	shalt  }
0x85: {  	_ =	shalt  }
0x86: {  	_ =	shalt  }
0x87: {  	_ =	shalt  }
.Lfunc_end0:
.L_simem_size_0:
called_computation.2_lowered:
.L_overlay_start_0:
0x88: {  	s2 =	sld [smem:$0x3FD9]  }
0x89: {  	s3 =	sld [smem:$0x3FFE];
	_ =	sdelay $0x1  }
0x8a: {  	s1 =	srdreg.scid  }
0x8b: {  	s0 =	sand.u32 $0x1, s1  }
0x8c: {  	s17 =	sshll.u32 s0, $0xA;
	s2 =	sadd.s32 s3, s2  }
0x8d: {  	s2 =	sadd.s32 s2, s17  }
0x8e: {  	[smem:$0x3FC5] =	sst s2  }
0x8f: {  	_ = 	snop  }
0x90: {  	s2 =	sld [smem:$0x3FC7]  }
0x91: {  	s18 =	sld [smem:$0x3FD0];
	(tm) =	ssettm $0x1  }
0x92: {  	s4 =	sld [smem:$0x3FFB];
	_ =	sdelay $0x3  }
0x93: {  	_ =	strace s4  }
0x94: {  	s4 =	sld [smem:$0x3FFC];
	_ =	sdelay $0x3  }
0x95: {  	_ =	strace s4  }
0x96: {  	s4 =	sld [smem:$0x3FFD];
	_ =	sdelay $0x3  }
0x97: {  	_ =	strace s4  }
0x98: {  	_ =	strace $0x8FFFFFFF  }
0x99: {  	s19 =	sld [smem:$0x3FDB];
	_ =	sdelay $0x1  }
0x9a: {  	s5 =	simm.s32 $_scs_section_size  }
0x9b: {  	s6 =	simm.s32 $_size__tile_overlayer_lowered;
	s7 =	simm.s32 $_tile_overlayer_lowered  }
0x9c: {  	s22 =	simm.s32 $0x1BFF;
	s21 =	sshll.u32 s7, $0x1;
	s4 =	sadd.s32 s5, s19  }
0x9d: {  	s8 =	simm.s32 $0x0;
	s20 =	sshll.u32 s6, $0x1;
	s6 =	sadd.s32 s21, s4  }
0x9e: {  	[timem:s8], [sflag:s22] =	dma.local [hbm:s6], s20  }
0x9f: {  	_ =	swait.ge [sflag:s22], s20  }
0xa0: {  	s5 =	ssub.s32 $0x0, s20;
	[sflag:s22] =	ssyncset.done $0x0  }
0xa1: {  	[sflag:s22] =	ssyncadd.s32 s5;
	_ =	sdelay $0x1  }
0xa2: {  	s23 =	simm.s32 $0x1B8B  }
0xa3: {  	_ =	swait.ge [sflag:s23], $0x1  }
0xa4: {  	[sflag:s23] =	ssyncset.done $0x0  }
0xa5: {  	s25 =	simm.s32 $0x1B8E;
	s24 =	sld [smem:$0x3FFE];
	[sflag:s23] =	ssyncadd.s32 $0xFFFFFFFF  }
0xa6: {  	s26 =	simm.s32 $execute0_lowered;
	[smem:$0x3FD2] =	sst s25  }
0xa7: {  	s6 =	sshll.u32 s26, $0x1;
	_ =	strace $0x80000049;
	[dreg:$0x1] =	wrdreg $0xFFFFFFFF  }
0xa8: {  	s28 =	simm.s32 $_size_execute0_lowered;
	s4 =	sadd.s32 s4, s6;
	[dreg:$0x0] =	wrdreg $0x0  }
0xa9: {  	s6 =	sshll.u32 s28, $0x1;
	[dreg:$0x2] =	wrdreg s4  }
0xaa: {  	[dreg:$0x3] =	wrdreg s6  }
0xab: {  	[dreg:$0x4] =	wrdreg $0xC0  }
0xac: {  	_ =	task [dreg:s8], $0x5FFFF  }
0xad: {  	[dreg:$0x1] =	wrdreg $0xFFFFFFFF  }
0xae: {  	[dreg:$0x0] =	wrdreg $0x60  }
0xaf: {  	[dreg:$0x2] =	wrdreg s24  }
0xb0: {  	[dreg:$0x3] =	wrdreg s2  }
0xb1: {  	[dreg:$0x4] =	wrdreg s18  }
0xb2: {  	[dreg:$0x5] =	wrdreg $0x9  }
0xb3: {  	_ =	task.clear_ibuf [dreg:s8], $0x6FFFF;
	_ =	strace $0x90000049  }
0xb4: {  	s29 =	simm.s32 $0x9;
	_ =	strace $0x8000004B  }
0xb5: {  	_ =	swait.ge [sflag:s29], $0x1  }
0xb6: {  	[sflag:s29] =	ssyncadd.s32 $0xFFFFFFFF  }
0xb7: {  	_ =	strace $0x9000004B  }
0xb8: {  	_ =	sfence  }
0xb9: {  	s30 =	sld [smem:$0x0];
	_ =	sdelay $0x2  }
0xba: {  	s31 =	sshll.u32 s1, $0xD;
	s1 =	sshrl.u32 s1, $0x2  }
0xbb: {  	s3 =	sand.u32 $0x4000, s31;
	s1 =	sadd.s32 s1, s30  }
0xbc: {  	s0 =	sor.u32 s3, s0;
	s1 =	sshll.u32 s1, $0x11  }
0xbd: {  	s0 =	sor.u32 s1, s0  }
0xbe: {  	s0 =	sadd.s32 $0x8F2B, s0  }
0xbf: {  	[sflag:s0] =	ssyncadd.remote.s32 $0x1  }
0xc0: {  	_ =	sfence.sel $0xFFFF  }
0xc1: {  	[dreg:$0x0] =	wrdreg $0xFFFFFFFF;
	(pc) =	sbr.abs _section_cstart, $3  }
0xc2: {  	[dreg:$0x1] =	wrdreg $0xFFFFFFFF  }
0xc3: {  	_ =	task.clear_ibuf [dreg:s8], $0x2FFFF;
	_ =	strace $0x9FFFFFFF  }
0xc4: {  	(tm) =	ssettm $0x7FFFFFFF  }
0xc5: {  	_ =	shalt  }
tec
execute0_lowered:
.L_overlay_start_1:
0x0: {  	(tag) =	ssettag $0x1  }
0x1: {  	s0 =	rddreg [dreg:$0x0]  }
0x2: {  	s5 =	rddreg [dreg:$0x1]  }
0x3: {  	s1 =	rddreg [dreg:$0x2]  }
0x4: {  	s2 =	simm.s32 $0x0;
	s3 =	srdreg.scid;
	s25 =	stileid.u32  }
0x5: {  	s10 =	simm.s32 $0x1;
	s11 =	simm.s32 $0x400;
	s12 =	simm.s32 $0xC00  }
0x6: {  	s13 =	simm.s32 $0x1400;
	s14 =	simm.s32 $0x1C00;
	s15 =	simm.s32 $0x2400  }
0x7: {  	s16 =	simm.s32 $0x2C00;
	s17 =	simm.s32 $0x3400;
	s18 =	simm.s32 $0x3C00  }
0x8: {  	s19 =	simm.s32 $0x4400;
	s20 =	simm.s32 $0x4C00;
	s21 =	simm.s32 $0x5400  }
0x9: {  	s22 =	simm.s32 $0x5C00;
	s23 =	simm.s32 $0x6400;
	s24 =	simm.s32 $0x6C00  }
0xa: {  	s28 =	simm.s32 $0x280;
	s29 =	simm.s32 $0x100;
	s30 =	simm.s32 $0x300  }
0xb: {  	s31 =	simm.s32 $0x180;
	[smem:$0x7FF] =	sst s2;
	s4 =	sadd.s32 $0x5400, s0  }
0xc: {  	s6 =	sand.u32 $0x1, s3;
	s9 =	sshll.u32 s25, $0x7;
	s25 =	simm.s32 $0x7400  }
0xd: {  	_ =	strace $0x8000004A;
	s7 =	ssub.s32 $0x2, s6;
	s6 =	sshll.u32 s6, $0x6  }
0xe: {  	s8 =	sshrl.u32 s7, $0x1;
	s6 =	sadd.s32 s5, s6;
	s5 =	sadd.s32 $0x1400, s0  }
0xf: {  	v2 =	vlaneseq.u32;
	s0 =	simm.s32 $0x380;
	s26 =	ssub.s32 s7, s8;
	s6 =	sadd.s32 s9, s6  }
0x10: {  	vm0 =	vmmov $0xffff;
	v1 =	vshrl.u32 v2, $0x3;
	s7 =	simm.s32 $0x2;
	s8 =	simm.s32 $0x80;
	s9 =	simm.s32 $0x200  }
0x11: {  	v0 =	vand.u32 $0x7, v2;
	v2 =	vor.u32 $0x8, v2;
	v1 =	vmul.u32 $0x8, v1;
	[dreg:$0x4] =	wrdreg s6;
	s6 =	smax.u32 s26, $0x1;
	s26 =	simm.s32 $0x7C00  }
.LBB2_1:
0x12: {  	s3 =	rddreg [dreg:$0x4]  }
0x13: {  	[tilespmem:s2], [sflag:$0x2] =	stream.linear.gather [hbm4b:s3+s2], $0x200, $0x38;
	[tilespmem:$0x8400] =	vst v63  }
0x14: {  	_ =	swait.ge [sflag:s7], $0x200  }
0x15: {  	[sflag:s7] =	ssyncset.done $0x0  }
0x16: {  	[sflag:s7] =	ssyncadd.s32 $0xFFFFFE00  }
0x17: {  	[tilespmem:s9], [sflag:$0x1] =	stream.indirect.gather [hbm4b:s5+s8], $0x1, s2, s8, $0xb8;
	[tilespmem:$0x8400] =	vst v63  }
0x18: {  	_ =	swait.ge [sflag:s10], $0x80  }
0x19: {  	[sflag:s10] =	ssyncset.done $0x0  }
0x1a: {  	[sflag:s10] =	ssyncadd.s32 $0xFFFFFF80  }
0x1b: {  	v3 =	vld [tilespmem:$0x200];
	_ =	sdelay $0x4  }
0x1c: {  	v4 =	vshll.u32 v3, $0x1  }
0x1d: {  	v3 =	vand.u32 $0x7, v3;
	v4 =	vand.u32 $0xFFFFFFF0, v4  }
0x1e: {  	v3 =	vor.u32 v3, v4  }
0x1f: {  	v4 =	vperm.xlane v3, v0;
	_ =	sdelay $0x1  }
0x20: {  	v3 =	vperm.xlane v3, v2;
	v4 =	vadd.s32 v1, v4;
	_ =	sdelay $0x1  }
0x21: {  	v3 =	vadd.s32 v1, v3;
	_ =	sdelay $0x2  }
0x22: {  	[tilespmem:s11], [sflag:$0x1] =	stream.indirect_vreg.gather [hbm4b:s4+s2], $0x80, v4, vm0, $0xb8;
	[tilespmem:$0x8400] =	vst v63  }
0x23: {  	_ = 	snop  }
0x24: {  	[tilespmem:s12], [sflag:$0x1] =	stream.indirect_vreg.gather [hbm4b:s4+s2], $0x80, v3, vm0, $0xb8;
	[tilespmem:$0x8400] =	vst v63  }
0x25: {  	v3 =	vld [tilespmem:$0x210];
	_ =	sdelay $0x4  }
0x26: {  	v57 =	vshll.u32 v3, $0x1  }
0x27: {  	v3 =	vand.u32 $0x7, v3;
	v4 =	vand.u32 $0xFFFFFFF0, v57  }
0x28: {  	v3 =	vor.u32 v3, v4  }
0x29: {  	v4 =	vperm.xlane v3, v0;
	_ =	sdelay $0x1  }
0x2a: {  	v3 =	vperm.xlane v3, v2;
	v4 =	vadd.s32 v1, v4;
	_ =	sdelay $0x1  }
0x2b: {  	v3 =	vadd.s32 v1, v3;
	_ =	sdelay $0x2  }
0x2c: {  	[tilespmem:s13], [sflag:$0x1] =	stream.indirect_vreg.gather [hbm4b:s4+s2], $0x80, v4, vm0, $0xb8;
	[tilespmem:$0x8400] =	vst v63  }
0x2d: {  	_ = 	snop  }
0x2e: {  	[tilespmem:s14], [sflag:$0x1] =	stream.indirect_vreg.gather [hbm4b:s4+s2], $0x80, v3, vm0, $0xb8;
	[tilespmem:$0x8400] =	vst v63  }
0x2f: {  	v3 =	vld [tilespmem:$0x220];
	_ =	sdelay $0x4  }
0x30: {  	v58 =	vshll.u32 v3, $0x1  }
0x31: {  	v3 =	vand.u32 $0x7, v3;
	v4 =	vand.u32 $0xFFFFFFF0, v58  }
0x32: {  	v3 =	vor.u32 v3, v4  }
0x33: {  	v4 =	vperm.xlane v3, v0;
	_ =	sdelay $0x1  }
0x34: {  	v3 =	vperm.xlane v3, v2;
	v4 =	vadd.s32 v1, v4;
	_ =	sdelay $0x1  }
0x35: {  	v3 =	vadd.s32 v1, v3;
	_ =	sdelay $0x2  }
0x36: {  	[tilespmem:s15], [sflag:$0x1] =	stream.indirect_vreg.gather [hbm4b:s4+s2], $0x80, v4, vm0, $0xb8;
	[tilespmem:$0x8400] =	vst v63  }
0x37: {  	_ = 	snop  }
0x38: {  	[tilespmem:s16], [sflag:$0x1] =	stream.indirect_vreg.gather [hbm4b:s4+s2], $0x80, v3, vm0, $0xb8;
	[tilespmem:$0x8400] =	vst v63  }
0x39: {  	v3 =	vld [tilespmem:$0x230];
	_ =	sdelay $0x4  }
0x3a: {  	v59 =	vshll.u32 v3, $0x1  }
0x3b: {  	v3 =	vand.u32 $0x7, v3;
	v4 =	vand.u32 $0xFFFFFFF0, v59  }
0x3c: {  	v3 =	vor.u32 v3, v4  }
0x3d: {  	v4 =	vperm.xlane v3, v0;
	_ =	sdelay $0x1  }
0x3e: {  	v3 =	vperm.xlane v3, v2;
	v4 =	vadd.s32 v1, v4;
	_ =	sdelay $0x1  }
0x3f: {  	v3 =	vadd.s32 v1, v3;
	_ =	sdelay $0x2  }
0x40: {  	[tilespmem:s17], [sflag:$0x1] =	stream.indirect_vreg.gather [hbm4b:s4+s2], $0x80, v4, vm0, $0xb8;
	[tilespmem:$0x8400] =	vst v63  }
0x41: {  	_ = 	snop  }
0x42: {  	[tilespmem:s18], [sflag:$0x1] =	stream.indirect_vreg.gather [hbm4b:s4+s2], $0x80, v3, vm0, $0xb8;
	[tilespmem:$0x8400] =	vst v63  }
0x43: {  	v3 =	vld [tilespmem:$0x240];
	_ =	sdelay $0x4  }
0x44: {  	v60 =	vshll.u32 v3, $0x1  }
0x45: {  	v3 =	vand.u32 $0x7, v3;
	v4 =	vand.u32 $0xFFFFFFF0, v60  }
0x46: {  	v3 =	vor.u32 v3, v4  }
0x47: {  	v4 =	vperm.xlane v3, v0;
	_ =	sdelay $0x1  }
0x48: {  	v3 =	vperm.xlane v3, v2;
	v4 =	vadd.s32 v1, v4;
	_ =	sdelay $0x1  }
0x49: {  	v3 =	vadd.s32 v1, v3;
	_ =	sdelay $0x2  }
0x4a: {  	[tilespmem:s19], [sflag:$0x1] =	stream.indirect_vreg.gather [hbm4b:s4+s2], $0x80, v4, vm0, $0xb8;
	[tilespmem:$0x8400] =	vst v63  }
0x4b: {  	_ = 	snop  }
0x4c: {  	[tilespmem:s20], [sflag:$0x1] =	stream.indirect_vreg.gather [hbm4b:s4+s2], $0x80, v3, vm0, $0xb8;
	[tilespmem:$0x8400] =	vst v63  }
0x4d: {  	v3 =	vld [tilespmem:$0x250];
	_ =	sdelay $0x4  }
0x4e: {  	v61 =	vshll.u32 v3, $0x1  }
0x4f: {  	v3 =	vand.u32 $0x7, v3;
	v4 =	vand.u32 $0xFFFFFFF0, v61  }
0x50: {  	v3 =	vor.u32 v3, v4  }
0x51: {  	v4 =	vperm.xlane v3, v0;
	_ =	sdelay $0x1  }
0x52: {  	v3 =	vperm.xlane v3, v2;
	v4 =	vadd.s32 v1, v4;
	_ =	sdelay $0x1  }
0x53: {  	v3 =	vadd.s32 v1, v3;
	_ =	sdelay $0x2  }
0x54: {  	[tilespmem:s21], [sflag:$0x1] =	stream.indirect_vreg.gather [hbm4b:s4+s2], $0x80, v4, vm0, $0xb8;
	[tilespmem:$0x8400] =	vst v63  }
0x55: {  	_ = 	snop  }
0x56: {  	[tilespmem:s22], [sflag:$0x1] =	stream.indirect_vreg.gather [hbm4b:s4+s2], $0x80, v3, vm0, $0xb8;
	[tilespmem:$0x8400] =	vst v63  }
0x57: {  	v3 =	vld [tilespmem:$0x260];
	_ =	sdelay $0x4  }
0x58: {  	v62 =	vshll.u32 v3, $0x1  }
0x59: {  	v3 =	vand.u32 $0x7, v3;
	v4 =	vand.u32 $0xFFFFFFF0, v62  }
0x5a: {  	v3 =	vor.u32 v3, v4  }
0x5b: {  	v4 =	vperm.xlane v3, v0;
	_ =	sdelay $0x1  }
0x5c: {  	v3 =	vperm.xlane v3, v2;
	v4 =	vadd.s32 v1, v4;
	_ =	sdelay $0x1  }
0x5d: {  	v3 =	vadd.s32 v1, v3;
	_ =	sdelay $0x2  }
0x5e: {  	[tilespmem:s23], [sflag:$0x1] =	stream.indirect_vreg.gather [hbm4b:s4+s2], $0x80, v4, vm0, $0xb8;
	[tilespmem:$0x8400] =	vst v63  }
0x5f: {  	_ = 	snop  }
0x60: {  	[tilespmem:s24], [sflag:$0x1] =	stream.indirect_vreg.gather [hbm4b:s4+s2], $0x80, v3, vm0, $0xb8;
	[tilespmem:$0x8400] =	vst v63  }
0x61: {  	v3 =	vld [tilespmem:$0x270];
	_ =	sdelay $0x4  }
0x62: {  	v63 =	vshll.u32 v3, $0x1  }
0x63: {  	v3 =	vand.u32 $0x7, v3;
	v4 =	vand.u32 $0xFFFFFFF0, v63  }
0x64: {  	v3 =	vor.u32 v3, v4  }
0x65: {  	v4 =	vperm.xlane v3, v0;
	_ =	sdelay $0x1  }
0x66: {  	v3 =	vperm.xlane v3, v2;
	v4 =	vadd.s32 v1, v4;
	_ =	sdelay $0x1  }
0x67: {  	v3 =	vadd.s32 v1, v3;
	_ =	sdelay $0x2  }
0x68: {  	[tilespmem:s25], [sflag:$0x1] =	stream.indirect_vreg.gather [hbm4b:s4+s2], $0x80, v4, vm0, $0xb8;
	[tilespmem:$0x8400] =	vst v63  }
0x69: {  	_ = 	snop  }
0x6a: {  	[tilespmem:s26], [sflag:$0x1] =	stream.indirect_vreg.gather [hbm4b:s4+s2], $0x80, v3, vm0, $0xb8;
	[tilespmem:$0x8400] =	vst v63  }
0x6b: {  	_ =	swait.ge [sflag:s10], $0x8000  }
0x6c: {  	[sflag:s10] =	ssyncset.done $0x0  }
0x6d: {  	[sflag:s10] =	ssyncadd.s32 $0xFFFF8000  }
0x6e: {  	v3 =	vld [tilespmem:$0x0];
	_ =	sdelay $0x4  }
0x6f: {  	v8 =	vshll.u32 v3, $0x1  }
0x70: {  	v3 =	vand.u32 $0x7, v3;
	v4 =	vand.u32 $0xFFFFFFF0, v8  }
0x71: {  	v3 =	vor.u32 v3, v4  }
0x72: {  	v4 =	vperm.xlane v3, v0;
	_ =	sdelay $0x1  }
0x73: {  	v3 =	vperm.xlane v3, v2;
	v4 =	vadd.s32 v1, v4;
	_ =	sdelay $0x1  }
0x74: {  	v3 =	vadd.s32 v1, v3;
	_ =	sdelay $0x2  }
0x75: {  	[hbm4b:s1+s2] =	stream.indirect_vreg.scatter [tilespmem:s11], [sflag:$0x1], $0x80, v4, vm0, $0xb8;
	[tilespmem:$0x8400] =	vst v63  }
0x76: {  	_ = 	snop  }
0x77: {  	[hbm4b:s1+s2] =	stream.indirect_vreg.scatter [tilespmem:s12], [sflag:$0x1], $0x80, v3, vm0, $0xb8;
	[tilespmem:$0x8400] =	vst v63  }
0x78: {  	v3 =	vld [tilespmem:$0x10];
	_ =	sdelay $0x4  }
0x79: {  	v9 =	vshll.u32 v3, $0x1  }
0x7a: {  	v3 =	vand.u32 $0x7, v3;
	v4 =	vand.u32 $0xFFFFFFF0, v9  }
0x7b: {  	v3 =	vor.u32 v3, v4  }
0x7c: {  	v4 =	vperm.xlane v3, v0;
	_ =	sdelay $0x1  }
0x7d: {  	v3 =	vperm.xlane v3, v2;
	v4 =	vadd.s32 v1, v4;
	_ =	sdelay $0x1  }
0x7e: {  	v3 =	vadd.s32 v1, v3;
	_ =	sdelay $0x2  }
0x7f: {  	[hbm4b:s1+s2] =	stream.indirect_vreg.scatter [tilespmem:s13], [sflag:$0x1], $0x80, v4, vm0, $0xb8;
	[tilespmem:$0x8400] =	vst v63  }
0x80: {  	_ = 	snop  }
0x81: {  	[hbm4b:s1+s2] =	stream.indirect_vreg.scatter [tilespmem:s14], [sflag:$0x1], $0x80, v3, vm0, $0xb8;
	[tilespmem:$0x8400] =	vst v63  }
0x82: {  	v3 =	vld [tilespmem:$0x20];
	_ =	sdelay $0x4  }
0x83: {  	v10 =	vshll.u32 v3, $0x1  }
0x84: {  	v3 =	vand.u32 $0x7, v3;
	v4 =	vand.u32 $0xFFFFFFF0, v10  }
0x85: {  	v3 =	vor.u32 v3, v4  }
0x86: {  	v4 =	vperm.xlane v3, v0;
	_ =	sdelay $0x1  }
0x87: {  	v3 =	vperm.xlane v3, v2;
	v4 =	vadd.s32 v1, v4;
	_ =	sdelay $0x1  }
0x88: {  	v3 =	vadd.s32 v1, v3;
	_ =	sdelay $0x2  }
0x89: {  	[hbm4b:s1+s2] =	stream.indirect_vreg.scatter [tilespmem:s15], [sflag:$0x1], $0x80, v4, vm0, $0xb8;
	[tilespmem:$0x8400] =	vst v63  }
0x8a: {  	_ = 	snop  }
0x8b: {  	[hbm4b:s1+s2] =	stream.indirect_vreg.scatter [tilespmem:s16], [sflag:$0x1], $0x80, v3, vm0, $0xb8;
	[tilespmem:$0x8400] =	vst v63  }
0x8c: {  	v3 =	vld [tilespmem:$0x30];
	_ =	sdelay $0x4  }
0x8d: {  	v11 =	vshll.u32 v3, $0x1  }
0x8e: {  	v3 =	vand.u32 $0x7, v3;
	v4 =	vand.u32 $0xFFFFFFF0, v11  }
0x8f: {  	v3 =	vor.u32 v3, v4  }
0x90: {  	v4 =	vperm.xlane v3, v0;
	_ =	sdelay $0x1  }
0x91: {  	v3 =	vperm.xlane v3, v2;
	v4 =	vadd.s32 v1, v4;
	_ =	sdelay $0x1  }
0x92: {  	v3 =	vadd.s32 v1, v3;
	_ =	sdelay $0x2  }
0x93: {  	[hbm4b:s1+s2] =	stream.indirect_vreg.scatter [tilespmem:s17], [sflag:$0x1], $0x80, v4, vm0, $0xb8;
	[tilespmem:$0x8400] =	vst v63  }
0x94: {  	_ = 	snop  }
0x95: {  	[hbm4b:s1+s2] =	stream.indirect_vreg.scatter [tilespmem:s18], [sflag:$0x1], $0x80, v3, vm0, $0xb8;
	[tilespmem:$0x8400] =	vst v63  }
0x96: {  	v3 =	vld [tilespmem:$0x40];
	_ =	sdelay $0x4  }
0x97: {  	v12 =	vshll.u32 v3, $0x1  }
0x98: {  	v3 =	vand.u32 $0x7, v3;
	v4 =	vand.u32 $0xFFFFFFF0, v12  }
0x99: {  	v3 =	vor.u32 v3, v4  }
0x9a: {  	v4 =	vperm.xlane v3, v0;
	_ =	sdelay $0x1  }
0x9b: {  	v3 =	vperm.xlane v3, v2;
	v4 =	vadd.s32 v1, v4;
	_ =	sdelay $0x1  }
0x9c: {  	v3 =	vadd.s32 v1, v3;
	_ =	sdelay $0x2  }
0x9d: {  	[hbm4b:s1+s2] =	stream.indirect_vreg.scatter [tilespmem:s19], [sflag:$0x1], $0x80, v4, vm0, $0xb8;
	[tilespmem:$0x8400] =	vst v63  }
0x9e: {  	_ = 	snop  }
0x9f: {  	[hbm4b:s1+s2] =	stream.indirect_vreg.scatter [tilespmem:s20], [sflag:$0x1], $0x80, v3, vm0, $0xb8;
	[tilespmem:$0x8400] =	vst v63  }
0xa0: {  	v3 =	vld [tilespmem:$0x50];
	_ =	sdelay $0x4  }
0xa1: {  	v13 =	vshll.u32 v3, $0x1  }
0xa2: {  	v3 =	vand.u32 $0x7, v3;
	v4 =	vand.u32 $0xFFFFFFF0, v13  }
0xa3: {  	v3 =	vor.u32 v3, v4  }
0xa4: {  	v4 =	vperm.xlane v3, v0;
	_ =	sdelay $0x1  }
0xa5: {  	v3 =	vperm.xlane v3, v2;
	v4 =	vadd.s32 v1, v4;
	_ =	sdelay $0x1  }
0xa6: {  	v3 =	vadd.s32 v1, v3;
	_ =	sdelay $0x2  }
0xa7: {  	[hbm4b:s1+s2] =	stream.indirect_vreg.scatter [tilespmem:s21], [sflag:$0x1], $0x80, v4, vm0, $0xb8;
	[tilespmem:$0x8400] =	vst v63  }
0xa8: {  	_ = 	snop  }
0xa9: {  	[hbm4b:s1+s2] =	stream.indirect_vreg.scatter [tilespmem:s22], [sflag:$0x1], $0x80, v3, vm0, $0xb8;
	[tilespmem:$0x8400] =	vst v63  }
0xaa: {  	v3 =	vld [tilespmem:$0x60];
	_ =	sdelay $0x4  }
0xab: {  	v14 =	vshll.u32 v3, $0x1  }
0xac: {  	v3 =	vand.u32 $0x7, v3;
	v4 =	vand.u32 $0xFFFFFFF0, v14  }
0xad: {  	v3 =	vor.u32 v3, v4  }
0xae: {  	v4 =	vperm.xlane v3, v0;
	_ =	sdelay $0x1  }
0xaf: {  	v3 =	vperm.xlane v3, v2;
	v4 =	vadd.s32 v1, v4;
	_ =	sdelay $0x1  }
0xb0: {  	v3 =	vadd.s32 v1, v3;
	_ =	sdelay $0x2  }
0xb1: {  	[hbm4b:s1+s2] =	stream.indirect_vreg.scatter [tilespmem:s23], [sflag:$0x1], $0x80, v4, vm0, $0xb8;
	[tilespmem:$0x8400] =	vst v63  }
0xb2: {  	_ = 	snop  }
0xb3: {  	[hbm4b:s1+s2] =	stream.indirect_vreg.scatter [tilespmem:s24], [sflag:$0x1], $0x80, v3, vm0, $0xb8;
	[tilespmem:$0x8400] =	vst v63  }
0xb4: {  	v3 =	vld [tilespmem:$0x70];
	_ =	sdelay $0x4  }
0xb5: {  	v15 =	vshll.u32 v3, $0x1  }
0xb6: {  	v3 =	vand.u32 $0x7, v3;
	v4 =	vand.u32 $0xFFFFFFF0, v15  }
0xb7: {  	v3 =	vor.u32 v3, v4  }
0xb8: {  	v4 =	vperm.xlane v3, v0;
	_ =	sdelay $0x1  }
0xb9: {  	v3 =	vperm.xlane v3, v2;
	v4 =	vadd.s32 v1, v4;
	_ =	sdelay $0x1  }
0xba: {  	v3 =	vadd.s32 v1, v3;
	_ =	sdelay $0x2  }
0xbb: {  	[hbm4b:s1+s2] =	stream.indirect_vreg.scatter [tilespmem:s25], [sflag:$0x1], $0x80, v4, vm0, $0xb8;
	[tilespmem:$0x8400] =	vst v63  }
0xbc: {  	_ = 	snop  }
0xbd: {  	[hbm4b:s1+s2] =	stream.indirect_vreg.scatter [tilespmem:s26], [sflag:$0x1], $0x80, v3, vm0, $0xb8;
	[tilespmem:$0x8400] =	vst v63  }
0xbe: {  	_ =	swait.ge [sflag:s10], $0x8000  }
0xbf: {  	[sflag:s10] =	ssyncset.done $0x0  }
0xc0: {  	[sflag:s10] =	ssyncadd.s32 $0xFFFF8000  }
0xc1: {  	[tilespmem:s28], [sflag:$0x1] =	stream.indirect.gather [hbm4b:s5+s8], $0x1, s8, s8, $0xb8;
	[tilespmem:$0x8400] =	vst v63  }
0xc2: {  	_ =	swait.ge [sflag:s10], $0x80  }
0xc3: {  	[sflag:s10] =	ssyncset.done $0x0  }
0xc4: {  	[sflag:s10] =	ssyncadd.s32 $0xFFFFFF80  }
0xc5: {  	v3 =	vld [tilespmem:$0x280];
	_ =	sdelay $0x4  }
0xc6: {  	v16 =	vshll.u32 v3, $0x1  }
0xc7: {  	v3 =	vand.u32 $0x7, v3;
	v4 =	vand.u32 $0xFFFFFFF0, v16  }
0xc8: {  	v3 =	vor.u32 v3, v4  }
0xc9: {  	v4 =	vperm.xlane v3, v0;
	_ =	sdelay $0x1  }
0xca: {  	v3 =	vperm.xlane v3, v2;
	v4 =	vadd.s32 v1, v4;
	_ =	sdelay $0x1  }
0xcb: {  	v3 =	vadd.s32 v1, v3;
	_ =	sdelay $0x2  }
0xcc: {  	[tilespmem:s11], [sflag:$0x1] =	stream.indirect_vreg.gather [hbm4b:s4+s2], $0x80, v4, vm0, $0xb8;
	[tilespmem:$0x8400] =	vst v63  }
0xcd: {  	_ = 	snop  }
0xce: {  	[tilespmem:s12], [sflag:$0x1] =	stream.indirect_vreg.gather [hbm4b:s4+s2], $0x80, v3, vm0, $0xb8;
	[tilespmem:$0x8400] =	vst v63  }
0xcf: {  	v3 =	vld [tilespmem:$0x290];
	_ =	sdelay $0x4  }
0xd0: {  	v17 =	vshll.u32 v3, $0x1  }
0xd1: {  	v3 =	vand.u32 $0x7, v3;
	v4 =	vand.u32 $0xFFFFFFF0, v17  }
0xd2: {  	v3 =	vor.u32 v3, v4  }
0xd3: {  	v4 =	vperm.xlane v3, v0;
	_ =	sdelay $0x1  }
0xd4: {  	v3 =	vperm.xlane v3, v2;
	v4 =	vadd.s32 v1, v4;
	_ =	sdelay $0x1  }
0xd5: {  	v3 =	vadd.s32 v1, v3;
	_ =	sdelay $0x2  }
0xd6: {  	[tilespmem:s13], [sflag:$0x1] =	stream.indirect_vreg.gather [hbm4b:s4+s2], $0x80, v4, vm0, $0xb8;
	[tilespmem:$0x8400] =	vst v63  }
0xd7: {  	_ = 	snop  }
0xd8: {  	[tilespmem:s14], [sflag:$0x1] =	stream.indirect_vreg.gather [hbm4b:s4+s2], $0x80, v3, vm0, $0xb8;
	[tilespmem:$0x8400] =	vst v63  }
0xd9: {  	v3 =	vld [tilespmem:$0x2A0];
	_ =	sdelay $0x4  }
0xda: {  	v18 =	vshll.u32 v3, $0x1  }
0xdb: {  	v3 =	vand.u32 $0x7, v3;
	v4 =	vand.u32 $0xFFFFFFF0, v18  }
0xdc: {  	v3 =	vor.u32 v3, v4  }
0xdd: {  	v4 =	vperm.xlane v3, v0;
	_ =	sdelay $0x1  }
0xde: {  	v3 =	vperm.xlane v3, v2;
	v4 =	vadd.s32 v1, v4;
	_ =	sdelay $0x1  }
0xdf: {  	v3 =	vadd.s32 v1, v3;
	_ =	sdelay $0x2  }
0xe0: {  	[tilespmem:s15], [sflag:$0x1] =	stream.indirect_vreg.gather [hbm4b:s4+s2], $0x80, v4, vm0, $0xb8;
	[tilespmem:$0x8400] =	vst v63  }
0xe1: {  	_ = 	snop  }
0xe2: {  	[tilespmem:s16], [sflag:$0x1] =	stream.indirect_vreg.gather [hbm4b:s4+s2], $0x80, v3, vm0, $0xb8;
	[tilespmem:$0x8400] =	vst v63  }
0xe3: {  	v3 =	vld [tilespmem:$0x2B0];
	_ =	sdelay $0x4  }
0xe4: {  	v19 =	vshll.u32 v3, $0x1  }
0xe5: {  	v3 =	vand.u32 $0x7, v3;
	v4 =	vand.u32 $0xFFFFFFF0, v19  }
0xe6: {  	v3 =	vor.u32 v3, v4  }
0xe7: {  	v4 =	vperm.xlane v3, v0;
	_ =	sdelay $0x1  }
0xe8: {  	v3 =	vperm.xlane v3, v2;
	v4 =	vadd.s32 v1, v4;
	_ =	sdelay $0x1  }
0xe9: {  	v3 =	vadd.s32 v1, v3;
	_ =	sdelay $0x2  }
0xea: {  	[tilespmem:s17], [sflag:$0x1] =	stream.indirect_vreg.gather [hbm4b:s4+s2], $0x80, v4, vm0, $0xb8;
	[tilespmem:$0x8400] =	vst v63  }
0xeb: {  	_ = 	snop  }
0xec: {  	[tilespmem:s18], [sflag:$0x1] =	stream.indirect_vreg.gather [hbm4b:s4+s2], $0x80, v3, vm0, $0xb8;
	[tilespmem:$0x8400] =	vst v63  }
0xed: {  	v3 =	vld [tilespmem:$0x2C0];
	_ =	sdelay $0x4  }
0xee: {  	v20 =	vshll.u32 v3, $0x1  }
0xef: {  	v3 =	vand.u32 $0x7, v3;
	v4 =	vand.u32 $0xFFFFFFF0, v20  }
0xf0: {  	v3 =	vor.u32 v3, v4  }
0xf1: {  	v4 =	vperm.xlane v3, v0;
	_ =	sdelay $0x1  }
0xf2: {  	v3 =	vperm.xlane v3, v2;
	v4 =	vadd.s32 v1, v4;
	_ =	sdelay $0x1  }
0xf3: {  	v3 =	vadd.s32 v1, v3;
	_ =	sdelay $0x2  }
0xf4: {  	[tilespmem:s19], [sflag:$0x1] =	stream.indirect_vreg.gather [hbm4b:s4+s2], $0x80, v4, vm0, $0xb8;
	[tilespmem:$0x8400] =	vst v63  }
0xf5: {  	_ = 	snop  }
0xf6: {  	[tilespmem:s20], [sflag:$0x1] =	stream.indirect_vreg.gather [hbm4b:s4+s2], $0x80, v3, vm0, $0xb8;
	[tilespmem:$0x8400] =	vst v63  }
0xf7: {  	v3 =	vld [tilespmem:$0x2D0];
	_ =	sdelay $0x4  }
0xf8: {  	v21 =	vshll.u32 v3, $0x1  }
0xf9: {  	v3 =	vand.u32 $0x7, v3;
	v4 =	vand.u32 $0xFFFFFFF0, v21  }
0xfa: {  	v3 =	vor.u32 v3, v4  }
0xfb: {  	v4 =	vperm.xlane v3, v0;
	_ =	sdelay $0x1  }
0xfc: {  	v3 =	vperm.xlane v3, v2;
	v4 =	vadd.s32 v1, v4;
	_ =	sdelay $0x1  }
0xfd: {  	v3 =	vadd.s32 v1, v3;
	_ =	sdelay $0x2  }
0xfe: {  	[tilespmem:s21], [sflag:$0x1] =	stream.indirect_vreg.gather [hbm4b:s4+s2], $0x80, v4, vm0, $0xb8;
	[tilespmem:$0x8400] =	vst v63  }
0xff: {  	_ = 	snop  }
0x100: {  	[tilespmem:s22], [sflag:$0x1] =	stream.indirect_vreg.gather [hbm4b:s4+s2], $0x80, v3, vm0, $0xb8;
	[tilespmem:$0x8400] =	vst v63  }
0x101: {  	v3 =	vld [tilespmem:$0x2E0];
	_ =	sdelay $0x4  }
0x102: {  	v22 =	vshll.u32 v3, $0x1  }
0x103: {  	v3 =	vand.u32 $0x7, v3;
	v4 =	vand.u32 $0xFFFFFFF0, v22  }
0x104: {  	v3 =	vor.u32 v3, v4  }
0x105: {  	v4 =	vperm.xlane v3, v0;
	_ =	sdelay $0x1  }
0x106: {  	v3 =	vperm.xlane v3, v2;
	v4 =	vadd.s32 v1, v4;
	_ =	sdelay $0x1  }
0x107: {  	v3 =	vadd.s32 v1, v3;
	_ =	sdelay $0x2  }
0x108: {  	[tilespmem:s23], [sflag:$0x1] =	stream.indirect_vreg.gather [hbm4b:s4+s2], $0x80, v4, vm0, $0xb8;
	[tilespmem:$0x8400] =	vst v63  }
0x109: {  	_ = 	snop  }
0x10a: {  	[tilespmem:s24], [sflag:$0x1] =	stream.indirect_vreg.gather [hbm4b:s4+s2], $0x80, v3, vm0, $0xb8;
	[tilespmem:$0x8400] =	vst v63  }
0x10b: {  	v3 =	vld [tilespmem:$0x2F0];
	_ =	sdelay $0x4  }
0x10c: {  	v23 =	vshll.u32 v3, $0x1  }
0x10d: {  	v3 =	vand.u32 $0x7, v3;
	v4 =	vand.u32 $0xFFFFFFF0, v23  }
0x10e: {  	v3 =	vor.u32 v3, v4  }
0x10f: {  	v4 =	vperm.xlane v3, v0;
	_ =	sdelay $0x1  }
0x110: {  	v3 =	vperm.xlane v3, v2;
	v4 =	vadd.s32 v1, v4;
	_ =	sdelay $0x1  }
0x111: {  	v3 =	vadd.s32 v1, v3;
	_ =	sdelay $0x2  }
0x112: {  	[tilespmem:s25], [sflag:$0x1] =	stream.indirect_vreg.gather [hbm4b:s4+s2], $0x80, v4, vm0, $0xb8;
	[tilespmem:$0x8400] =	vst v63  }
0x113: {  	_ = 	snop  }
0x114: {  	[tilespmem:s26], [sflag:$0x1] =	stream.indirect_vreg.gather [hbm4b:s4+s2], $0x80, v3, vm0, $0xb8;
	[tilespmem:$0x8400] =	vst v63  }
0x115: {  	_ =	swait.ge [sflag:s10], $0x8000  }
0x116: {  	[sflag:s10] =	ssyncset.done $0x0  }
0x117: {  	[sflag:s10] =	ssyncadd.s32 $0xFFFF8000  }
0x118: {  	v3 =	vld [tilespmem:$0x80];
	_ =	sdelay $0x4  }
0x119: {  	v24 =	vshll.u32 v3, $0x1  }
0x11a: {  	v3 =	vand.u32 $0x7, v3;
	v4 =	vand.u32 $0xFFFFFFF0, v24  }
0x11b: {  	v3 =	vor.u32 v3, v4  }
0x11c: {  	v4 =	vperm.xlane v3, v0;
	_ =	sdelay $0x1  }
0x11d: {  	v3 =	vperm.xlane v3, v2;
	v4 =	vadd.s32 v1, v4;
	_ =	sdelay $0x1  }
0x11e: {  	v3 =	vadd.s32 v1, v3;
	_ =	sdelay $0x2  }
0x11f: {  	[hbm4b:s1+s2] =	stream.indirect_vreg.scatter [tilespmem:s11], [sflag:$0x1], $0x80, v4, vm0, $0xb8;
	[tilespmem:$0x8400] =	vst v63  }
0x120: {  	_ = 	snop  }
0x121: {  	[hbm4b:s1+s2] =	stream.indirect_vreg.scatter [tilespmem:s12], [sflag:$0x1], $0x80, v3, vm0, $0xb8;
	[tilespmem:$0x8400] =	vst v63  }
0x122: {  	v3 =	vld [tilespmem:$0x90];
	_ =	sdelay $0x4  }
0x123: {  	v25 =	vshll.u32 v3, $0x1  }
0x124: {  	v3 =	vand.u32 $0x7, v3;
	v4 =	vand.u32 $0xFFFFFFF0, v25  }
0x125: {  	v3 =	vor.u32 v3, v4  }
0x126: {  	v4 =	vperm.xlane v3, v0;
	_ =	sdelay $0x1  }
0x127: {  	v3 =	vperm.xlane v3, v2;
	v4 =	vadd.s32 v1, v4;
	_ =	sdelay $0x1  }
0x128: {  	v3 =	vadd.s32 v1, v3;
	_ =	sdelay $0x2  }
0x129: {  	[hbm4b:s1+s2] =	stream.indirect_vreg.scatter [tilespmem:s13], [sflag:$0x1], $0x80, v4, vm0, $0xb8;
	[tilespmem:$0x8400] =	vst v63  }
0x12a: {  	_ = 	snop  }
0x12b: {  	[hbm4b:s1+s2] =	stream.indirect_vreg.scatter [tilespmem:s14], [sflag:$0x1], $0x80, v3, vm0, $0xb8;
	[tilespmem:$0x8400] =	vst v63  }
0x12c: {  	v3 =	vld [tilespmem:$0xA0];
	_ =	sdelay $0x4  }
0x12d: {  	v26 =	vshll.u32 v3, $0x1  }
0x12e: {  	v3 =	vand.u32 $0x7, v3;
	v4 =	vand.u32 $0xFFFFFFF0, v26  }
0x12f: {  	v3 =	vor.u32 v3, v4  }
0x130: {  	v4 =	vperm.xlane v3, v0;
	_ =	sdelay $0x1  }
0x131: {  	v3 =	vperm.xlane v3, v2;
	v4 =	vadd.s32 v1, v4;
	_ =	sdelay $0x1  }
0x132: {  	v3 =	vadd.s32 v1, v3;
	_ =	sdelay $0x2  }
0x133: {  	[hbm4b:s1+s2] =	stream.indirect_vreg.scatter [tilespmem:s15], [sflag:$0x1], $0x80, v4, vm0, $0xb8;
	[tilespmem:$0x8400] =	vst v63  }
0x134: {  	_ = 	snop  }
0x135: {  	[hbm4b:s1+s2] =	stream.indirect_vreg.scatter [tilespmem:s16], [sflag:$0x1], $0x80, v3, vm0, $0xb8;
	[tilespmem:$0x8400] =	vst v63  }
0x136: {  	v3 =	vld [tilespmem:$0xB0];
	_ =	sdelay $0x4  }
0x137: {  	v27 =	vshll.u32 v3, $0x1  }
0x138: {  	v3 =	vand.u32 $0x7, v3;
	v4 =	vand.u32 $0xFFFFFFF0, v27  }
0x139: {  	v3 =	vor.u32 v3, v4  }
0x13a: {  	v4 =	vperm.xlane v3, v0;
	_ =	sdelay $0x1  }
0x13b: {  	v3 =	vperm.xlane v3, v2;
	v4 =	vadd.s32 v1, v4;
	_ =	sdelay $0x1  }
0x13c: {  	v3 =	vadd.s32 v1, v3;
	_ =	sdelay $0x2  }
0x13d: {  	[hbm4b:s1+s2] =	stream.indirect_vreg.scatter [tilespmem:s17], [sflag:$0x1], $0x80, v4, vm0, $0xb8;
	[tilespmem:$0x8400] =	vst v63  }
0x13e: {  	_ = 	snop  }
0x13f: {  	[hbm4b:s1+s2] =	stream.indirect_vreg.scatter [tilespmem:s18], [sflag:$0x1], $0x80, v3, vm0, $0xb8;
	[tilespmem:$0x8400] =	vst v63  }
0x140: {  	v3 =	vld [tilespmem:$0xC0];
	_ =	sdelay $0x4  }
0x141: {  	v28 =	vshll.u32 v3, $0x1  }
0x142: {  	v3 =	vand.u32 $0x7, v3;
	v4 =	vand.u32 $0xFFFFFFF0, v28  }
0x143: {  	v3 =	vor.u32 v3, v4  }
0x144: {  	v4 =	vperm.xlane v3, v0;
	_ =	sdelay $0x1  }
0x145: {  	v3 =	vperm.xlane v3, v2;
	v4 =	vadd.s32 v1, v4;
	_ =	sdelay $0x1  }
0x146: {  	v3 =	vadd.s32 v1, v3;
	_ =	sdelay $0x2  }
0x147: {  	[hbm4b:s1+s2] =	stream.indirect_vreg.scatter [tilespmem:s19], [sflag:$0x1], $0x80, v4, vm0, $0xb8;
	[tilespmem:$0x8400] =	vst v63  }
0x148: {  	_ = 	snop  }
0x149: {  	[hbm4b:s1+s2] =	stream.indirect_vreg.scatter [tilespmem:s20], [sflag:$0x1], $0x80, v3, vm0, $0xb8;
	[tilespmem:$0x8400] =	vst v63  }
0x14a: {  	v3 =	vld [tilespmem:$0xD0];
	_ =	sdelay $0x4  }
0x14b: {  	v29 =	vshll.u32 v3, $0x1  }
0x14c: {  	v3 =	vand.u32 $0x7, v3;
	v4 =	vand.u32 $0xFFFFFFF0, v29  }
0x14d: {  	v3 =	vor.u32 v3, v4  }
0x14e: {  	v4 =	vperm.xlane v3, v0;
	_ =	sdelay $0x1  }
0x14f: {  	v3 =	vperm.xlane v3, v2;
	v4 =	vadd.s32 v1, v4;
	_ =	sdelay $0x1  }
0x150: {  	v3 =	vadd.s32 v1, v3;
	_ =	sdelay $0x2  }
0x151: {  	[hbm4b:s1+s2] =	stream.indirect_vreg.scatter [tilespmem:s21], [sflag:$0x1], $0x80, v4, vm0, $0xb8;
	[tilespmem:$0x8400] =	vst v63  }
0x152: {  	_ = 	snop  }
0x153: {  	[hbm4b:s1+s2] =	stream.indirect_vreg.scatter [tilespmem:s22], [sflag:$0x1], $0x80, v3, vm0, $0xb8;
	[tilespmem:$0x8400] =	vst v63  }
0x154: {  	v3 =	vld [tilespmem:$0xE0];
	_ =	sdelay $0x4  }
0x155: {  	v30 =	vshll.u32 v3, $0x1  }
0x156: {  	v3 =	vand.u32 $0x7, v3;
	v4 =	vand.u32 $0xFFFFFFF0, v30  }
0x157: {  	v3 =	vor.u32 v3, v4  }
0x158: {  	v4 =	vperm.xlane v3, v0;
	_ =	sdelay $0x1  }
0x159: {  	v3 =	vperm.xlane v3, v2;
	v4 =	vadd.s32 v1, v4;
	_ =	sdelay $0x1  }
0x15a: {  	v3 =	vadd.s32 v1, v3;
	_ =	sdelay $0x2  }
0x15b: {  	[hbm4b:s1+s2] =	stream.indirect_vreg.scatter [tilespmem:s23], [sflag:$0x1], $0x80, v4, vm0, $0xb8;
	[tilespmem:$0x8400] =	vst v63  }
0x15c: {  	_ = 	snop  }
0x15d: {  	[hbm4b:s1+s2] =	stream.indirect_vreg.scatter [tilespmem:s24], [sflag:$0x1], $0x80, v3, vm0, $0xb8;
	[tilespmem:$0x8400] =	vst v63  }
0x15e: {  	v3 =	vld [tilespmem:$0xF0];
	_ =	sdelay $0x4  }
0x15f: {  	v31 =	vshll.u32 v3, $0x1  }
0x160: {  	v3 =	vand.u32 $0x7, v3;
	v4 =	vand.u32 $0xFFFFFFF0, v31  }
0x161: {  	v3 =	vor.u32 v3, v4  }
0x162: {  	v4 =	vperm.xlane v3, v0;
	_ =	sdelay $0x1  }
0x163: {  	v3 =	vperm.xlane v3, v2;
	v4 =	vadd.s32 v1, v4;
	_ =	sdelay $0x1  }
0x164: {  	v3 =	vadd.s32 v1, v3;
	_ =	sdelay $0x2  }
0x165: {  	[hbm4b:s1+s2] =	stream.indirect_vreg.scatter [tilespmem:s25], [sflag:$0x1], $0x80, v4, vm0, $0xb8;
	[tilespmem:$0x8400] =	vst v63  }
0x166: {  	_ = 	snop  }
0x167: {  	[hbm4b:s1+s2] =	stream.indirect_vreg.scatter [tilespmem:s26], [sflag:$0x1], $0x80, v3, vm0, $0xb8;
	[tilespmem:$0x8400] =	vst v63  }
0x168: {  	_ =	swait.ge [sflag:s10], $0x8000  }
0x169: {  	[sflag:s10] =	ssyncset.done $0x0  }
0x16a: {  	[sflag:s10] =	ssyncadd.s32 $0xFFFF8000  }
0x16b: {  	[tilespmem:s30], [sflag:$0x1] =	stream.indirect.gather [hbm4b:s5+s8], $0x1, s29, s8, $0xb8;
	[tilespmem:$0x8400] =	vst v63  }
0x16c: {  	_ =	swait.ge [sflag:s10], $0x80  }
0x16d: {  	[sflag:s10] =	ssyncset.done $0x0  }
0x16e: {  	[sflag:s10] =	ssyncadd.s32 $0xFFFFFF80  }
0x16f: {  	v3 =	vld [tilespmem:$0x300];
	_ =	sdelay $0x4  }
0x170: {  	v32 =	vshll.u32 v3, $0x1  }
0x171: {  	v3 =	vand.u32 $0x7, v3;
	v4 =	vand.u32 $0xFFFFFFF0, v32  }
0x172: {  	v3 =	vor.u32 v3, v4  }
0x173: {  	v4 =	vperm.xlane v3, v0;
	_ =	sdelay $0x1  }
0x174: {  	v3 =	vperm.xlane v3, v2;
	v4 =	vadd.s32 v1, v4;
	_ =	sdelay $0x1  }
0x175: {  	v3 =	vadd.s32 v1, v3;
	_ =	sdelay $0x2  }
0x176: {  	[tilespmem:s11], [sflag:$0x1] =	stream.indirect_vreg.gather [hbm4b:s4+s2], $0x80, v4, vm0, $0xb8;
	[tilespmem:$0x8400] =	vst v63  }
0x177: {  	_ = 	snop  }
0x178: {  	[tilespmem:s12], [sflag:$0x1] =	stream.indirect_vreg.gather [hbm4b:s4+s2], $0x80, v3, vm0, $0xb8;
	[tilespmem:$0x8400] =	vst v63  }
0x179: {  	v3 =	vld [tilespmem:$0x310];
	_ =	sdelay $0x4  }
0x17a: {  	v33 =	vshll.u32 v3, $0x1  }
0x17b: {  	v3 =	vand.u32 $0x7, v3;
	v4 =	vand.u32 $0xFFFFFFF0, v33  }
0x17c: {  	v3 =	vor.u32 v3, v4  }
0x17d: {  	v4 =	vperm.xlane v3, v0;
	_ =	sdelay $0x1  }
0x17e: {  	v3 =	vperm.xlane v3, v2;
	v4 =	vadd.s32 v1, v4;
	_ =	sdelay $0x1  }
0x17f: {  	v3 =	vadd.s32 v1, v3;
	_ =	sdelay $0x2  }
0x180: {  	[tilespmem:s13], [sflag:$0x1] =	stream.indirect_vreg.gather [hbm4b:s4+s2], $0x80, v4, vm0, $0xb8;
	[tilespmem:$0x8400] =	vst v63  }
0x181: {  	_ = 	snop  }
0x182: {  	[tilespmem:s14], [sflag:$0x1] =	stream.indirect_vreg.gather [hbm4b:s4+s2], $0x80, v3, vm0, $0xb8;
	[tilespmem:$0x8400] =	vst v63  }
0x183: {  	v3 =	vld [tilespmem:$0x320];
	_ =	sdelay $0x4  }
0x184: {  	v34 =	vshll.u32 v3, $0x1  }
0x185: {  	v3 =	vand.u32 $0x7, v3;
	v4 =	vand.u32 $0xFFFFFFF0, v34  }
0x186: {  	v3 =	vor.u32 v3, v4  }
0x187: {  	v4 =	vperm.xlane v3, v0;
	_ =	sdelay $0x1  }
0x188: {  	v3 =	vperm.xlane v3, v2;
	v4 =	vadd.s32 v1, v4;
	_ =	sdelay $0x1  }
0x189: {  	v3 =	vadd.s32 v1, v3;
	_ =	sdelay $0x2  }
0x18a: {  	[tilespmem:s15], [sflag:$0x1] =	stream.indirect_vreg.gather [hbm4b:s4+s2], $0x80, v4, vm0, $0xb8;
	[tilespmem:$0x8400] =	vst v63  }
0x18b: {  	_ = 	snop  }
0x18c: {  	[tilespmem:s16], [sflag:$0x1] =	stream.indirect_vreg.gather [hbm4b:s4+s2], $0x80, v3, vm0, $0xb8;
	[tilespmem:$0x8400] =	vst v63  }
0x18d: {  	v3 =	vld [tilespmem:$0x330];
	_ =	sdelay $0x4  }
0x18e: {  	v35 =	vshll.u32 v3, $0x1  }
0x18f: {  	v3 =	vand.u32 $0x7, v3;
	v4 =	vand.u32 $0xFFFFFFF0, v35  }
0x190: {  	v3 =	vor.u32 v3, v4  }
0x191: {  	v4 =	vperm.xlane v3, v0;
	_ =	sdelay $0x1  }
0x192: {  	v3 =	vperm.xlane v3, v2;
	v4 =	vadd.s32 v1, v4;
	_ =	sdelay $0x1  }
0x193: {  	v3 =	vadd.s32 v1, v3;
	_ =	sdelay $0x2  }
0x194: {  	[tilespmem:s17], [sflag:$0x1] =	stream.indirect_vreg.gather [hbm4b:s4+s2], $0x80, v4, vm0, $0xb8;
	[tilespmem:$0x8400] =	vst v63  }
0x195: {  	_ = 	snop  }
0x196: {  	[tilespmem:s18], [sflag:$0x1] =	stream.indirect_vreg.gather [hbm4b:s4+s2], $0x80, v3, vm0, $0xb8;
	[tilespmem:$0x8400] =	vst v63  }
0x197: {  	v3 =	vld [tilespmem:$0x340];
	_ =	sdelay $0x4  }
0x198: {  	v36 =	vshll.u32 v3, $0x1  }
0x199: {  	v3 =	vand.u32 $0x7, v3;
	v4 =	vand.u32 $0xFFFFFFF0, v36  }
0x19a: {  	v3 =	vor.u32 v3, v4  }
0x19b: {  	v4 =	vperm.xlane v3, v0;
	_ =	sdelay $0x1  }
0x19c: {  	v3 =	vperm.xlane v3, v2;
	v4 =	vadd.s32 v1, v4;
	_ =	sdelay $0x1  }
0x19d: {  	v3 =	vadd.s32 v1, v3;
	_ =	sdelay $0x2  }
0x19e: {  	[tilespmem:s19], [sflag:$0x1] =	stream.indirect_vreg.gather [hbm4b:s4+s2], $0x80, v4, vm0, $0xb8;
	[tilespmem:$0x8400] =	vst v63  }
0x19f: {  	_ = 	snop  }
0x1a0: {  	[tilespmem:s20], [sflag:$0x1] =	stream.indirect_vreg.gather [hbm4b:s4+s2], $0x80, v3, vm0, $0xb8;
	[tilespmem:$0x8400] =	vst v63  }
0x1a1: {  	v3 =	vld [tilespmem:$0x350];
	_ =	sdelay $0x4  }
0x1a2: {  	v37 =	vshll.u32 v3, $0x1  }
0x1a3: {  	v3 =	vand.u32 $0x7, v3;
	v4 =	vand.u32 $0xFFFFFFF0, v37  }
0x1a4: {  	v3 =	vor.u32 v3, v4  }
0x1a5: {  	v4 =	vperm.xlane v3, v0;
	_ =	sdelay $0x1  }
0x1a6: {  	v3 =	vperm.xlane v3, v2;
	v4 =	vadd.s32 v1, v4;
	_ =	sdelay $0x1  }
0x1a7: {  	v3 =	vadd.s32 v1, v3;
	_ =	sdelay $0x2  }
0x1a8: {  	[tilespmem:s21], [sflag:$0x1] =	stream.indirect_vreg.gather [hbm4b:s4+s2], $0x80, v4, vm0, $0xb8;
	[tilespmem:$0x8400] =	vst v63  }
0x1a9: {  	_ = 	snop  }
0x1aa: {  	[tilespmem:s22], [sflag:$0x1] =	stream.indirect_vreg.gather [hbm4b:s4+s2], $0x80, v3, vm0, $0xb8;
	[tilespmem:$0x8400] =	vst v63  }
0x1ab: {  	v3 =	vld [tilespmem:$0x360];
	_ =	sdelay $0x4  }
0x1ac: {  	v38 =	vshll.u32 v3, $0x1  }
0x1ad: {  	v3 =	vand.u32 $0x7, v3;
	v4 =	vand.u32 $0xFFFFFFF0, v38  }
0x1ae: {  	v3 =	vor.u32 v3, v4  }
0x1af: {  	v4 =	vperm.xlane v3, v0;
	_ =	sdelay $0x1  }
0x1b0: {  	v3 =	vperm.xlane v3, v2;
	v4 =	vadd.s32 v1, v4;
	_ =	sdelay $0x1  }
0x1b1: {  	v3 =	vadd.s32 v1, v3;
	_ =	sdelay $0x2  }
0x1b2: {  	[tilespmem:s23], [sflag:$0x1] =	stream.indirect_vreg.gather [hbm4b:s4+s2], $0x80, v4, vm0, $0xb8;
	[tilespmem:$0x8400] =	vst v63  }
0x1b3: {  	_ = 	snop  }
0x1b4: {  	[tilespmem:s24], [sflag:$0x1] =	stream.indirect_vreg.gather [hbm4b:s4+s2], $0x80, v3, vm0, $0xb8;
	[tilespmem:$0x8400] =	vst v63  }
0x1b5: {  	v3 =	vld [tilespmem:$0x370];
	_ =	sdelay $0x4  }
0x1b6: {  	v39 =	vshll.u32 v3, $0x1  }
0x1b7: {  	v3 =	vand.u32 $0x7, v3;
	v4 =	vand.u32 $0xFFFFFFF0, v39  }
0x1b8: {  	v3 =	vor.u32 v3, v4  }
0x1b9: {  	v4 =	vperm.xlane v3, v0;
	_ =	sdelay $0x1  }
0x1ba: {  	v3 =	vperm.xlane v3, v2;
	v4 =	vadd.s32 v1, v4;
	_ =	sdelay $0x1  }
0x1bb: {  	v3 =	vadd.s32 v1, v3;
	_ =	sdelay $0x2  }
0x1bc: {  	[tilespmem:s25], [sflag:$0x1] =	stream.indirect_vreg.gather [hbm4b:s4+s2], $0x80, v4, vm0, $0xb8;
	[tilespmem:$0x8400] =	vst v63  }
0x1bd: {  	_ = 	snop  }
0x1be: {  	[tilespmem:s26], [sflag:$0x1] =	stream.indirect_vreg.gather [hbm4b:s4+s2], $0x80, v3, vm0, $0xb8;
	[tilespmem:$0x8400] =	vst v63  }
0x1bf: {  	_ =	swait.ge [sflag:s10], $0x8000  }
0x1c0: {  	[sflag:s10] =	ssyncset.done $0x0  }
0x1c1: {  	[sflag:s10] =	ssyncadd.s32 $0xFFFF8000  }
0x1c2: {  	v3 =	vld [tilespmem:$0x100];
	_ =	sdelay $0x4  }
0x1c3: {  	v40 =	vshll.u32 v3, $0x1  }
0x1c4: {  	v3 =	vand.u32 $0x7, v3;
	v4 =	vand.u32 $0xFFFFFFF0, v40  }
0x1c5: {  	v3 =	vor.u32 v3, v4  }
0x1c6: {  	v4 =	vperm.xlane v3, v0;
	_ =	sdelay $0x1  }
0x1c7: {  	v3 =	vperm.xlane v3, v2;
	v4 =	vadd.s32 v1, v4;
	_ =	sdelay $0x1  }
0x1c8: {  	v3 =	vadd.s32 v1, v3;
	_ =	sdelay $0x2  }
0x1c9: {  	[hbm4b:s1+s2] =	stream.indirect_vreg.scatter [tilespmem:s11], [sflag:$0x1], $0x80, v4, vm0, $0xb8;
	[tilespmem:$0x8400] =	vst v63  }
0x1ca: {  	_ = 	snop  }
0x1cb: {  	[hbm4b:s1+s2] =	stream.indirect_vreg.scatter [tilespmem:s12], [sflag:$0x1], $0x80, v3, vm0, $0xb8;
	[tilespmem:$0x8400] =	vst v63  }
0x1cc: {  	v3 =	vld [tilespmem:$0x110];
	_ =	sdelay $0x4  }
0x1cd: {  	v41 =	vshll.u32 v3, $0x1  }
0x1ce: {  	v3 =	vand.u32 $0x7, v3;
	v4 =	vand.u32 $0xFFFFFFF0, v41  }
0x1cf: {  	v3 =	vor.u32 v3, v4  }
0x1d0: {  	v4 =	vperm.xlane v3, v0;
	_ =	sdelay $0x1  }
0x1d1: {  	v3 =	vperm.xlane v3, v2;
	v4 =	vadd.s32 v1, v4;
	_ =	sdelay $0x1  }
0x1d2: {  	v3 =	vadd.s32 v1, v3;
	_ =	sdelay $0x2  }
0x1d3: {  	[hbm4b:s1+s2] =	stream.indirect_vreg.scatter [tilespmem:s13], [sflag:$0x1], $0x80, v4, vm0, $0xb8;
	[tilespmem:$0x8400] =	vst v63  }
0x1d4: {  	_ = 	snop  }
0x1d5: {  	[hbm4b:s1+s2] =	stream.indirect_vreg.scatter [tilespmem:s14], [sflag:$0x1], $0x80, v3, vm0, $0xb8;
	[tilespmem:$0x8400] =	vst v63  }
0x1d6: {  	v3 =	vld [tilespmem:$0x120];
	_ =	sdelay $0x4  }
0x1d7: {  	v42 =	vshll.u32 v3, $0x1  }
0x1d8: {  	v3 =	vand.u32 $0x7, v3;
	v4 =	vand.u32 $0xFFFFFFF0, v42  }
0x1d9: {  	v3 =	vor.u32 v3, v4  }
0x1da: {  	v4 =	vperm.xlane v3, v0;
	_ =	sdelay $0x1  }
0x1db: {  	v3 =	vperm.xlane v3, v2;
	v4 =	vadd.s32 v1, v4;
	_ =	sdelay $0x1  }
0x1dc: {  	v3 =	vadd.s32 v1, v3;
	_ =	sdelay $0x2  }
0x1dd: {  	[hbm4b:s1+s2] =	stream.indirect_vreg.scatter [tilespmem:s15], [sflag:$0x1], $0x80, v4, vm0, $0xb8;
	[tilespmem:$0x8400] =	vst v63  }
0x1de: {  	_ = 	snop  }
0x1df: {  	[hbm4b:s1+s2] =	stream.indirect_vreg.scatter [tilespmem:s16], [sflag:$0x1], $0x80, v3, vm0, $0xb8;
	[tilespmem:$0x8400] =	vst v63  }
0x1e0: {  	v3 =	vld [tilespmem:$0x130];
	_ =	sdelay $0x4  }
0x1e1: {  	v43 =	vshll.u32 v3, $0x1  }
0x1e2: {  	v3 =	vand.u32 $0x7, v3;
	v4 =	vand.u32 $0xFFFFFFF0, v43  }
0x1e3: {  	v3 =	vor.u32 v3, v4  }
0x1e4: {  	v4 =	vperm.xlane v3, v0;
	_ =	sdelay $0x1  }
0x1e5: {  	v3 =	vperm.xlane v3, v2;
	v4 =	vadd.s32 v1, v4;
	_ =	sdelay $0x1  }
0x1e6: {  	v3 =	vadd.s32 v1, v3;
	_ =	sdelay $0x2  }
0x1e7: {  	[hbm4b:s1+s2] =	stream.indirect_vreg.scatter [tilespmem:s17], [sflag:$0x1], $0x80, v4, vm0, $0xb8;
	[tilespmem:$0x8400] =	vst v63  }
0x1e8: {  	_ = 	snop  }
0x1e9: {  	[hbm4b:s1+s2] =	stream.indirect_vreg.scatter [tilespmem:s18], [sflag:$0x1], $0x80, v3, vm0, $0xb8;
	[tilespmem:$0x8400] =	vst v63  }
0x1ea: {  	v3 =	vld [tilespmem:$0x140];
	_ =	sdelay $0x4  }
0x1eb: {  	v44 =	vshll.u32 v3, $0x1  }
0x1ec: {  	v3 =	vand.u32 $0x7, v3;
	v4 =	vand.u32 $0xFFFFFFF0, v44  }
0x1ed: {  	v3 =	vor.u32 v3, v4  }
0x1ee: {  	v4 =	vperm.xlane v3, v0;
	_ =	sdelay $0x1  }
0x1ef: {  	v3 =	vperm.xlane v3, v2;
	v4 =	vadd.s32 v1, v4;
	_ =	sdelay $0x1  }
0x1f0: {  	v3 =	vadd.s32 v1, v3;
	_ =	sdelay $0x2  }
0x1f1: {  	[hbm4b:s1+s2] =	stream.indirect_vreg.scatter [tilespmem:s19], [sflag:$0x1], $0x80, v4, vm0, $0xb8;
	[tilespmem:$0x8400] =	vst v63  }
0x1f2: {  	_ = 	snop  }
0x1f3: {  	[hbm4b:s1+s2] =	stream.indirect_vreg.scatter [tilespmem:s20], [sflag:$0x1], $0x80, v3, vm0, $0xb8;
	[tilespmem:$0x8400] =	vst v63  }
0x1f4: {  	v3 =	vld [tilespmem:$0x150];
	_ =	sdelay $0x4  }
0x1f5: {  	v45 =	vshll.u32 v3, $0x1  }
0x1f6: {  	v3 =	vand.u32 $0x7, v3;
	v4 =	vand.u32 $0xFFFFFFF0, v45  }
0x1f7: {  	v3 =	vor.u32 v3, v4  }
0x1f8: {  	v4 =	vperm.xlane v3, v0;
	_ =	sdelay $0x1  }
0x1f9: {  	v3 =	vperm.xlane v3, v2;
	v4 =	vadd.s32 v1, v4;
	_ =	sdelay $0x1  }
0x1fa: {  	v3 =	vadd.s32 v1, v3;
	_ =	sdelay $0x2  }
0x1fb: {  	[hbm4b:s1+s2] =	stream.indirect_vreg.scatter [tilespmem:s21], [sflag:$0x1], $0x80, v4, vm0, $0xb8;
	[tilespmem:$0x8400] =	vst v63  }
0x1fc: {  	_ = 	snop  }
0x1fd: {  	[hbm4b:s1+s2] =	stream.indirect_vreg.scatter [tilespmem:s22], [sflag:$0x1], $0x80, v3, vm0, $0xb8;
	[tilespmem:$0x8400] =	vst v63  }
0x1fe: {  	v3 =	vld [tilespmem:$0x160];
	_ =	sdelay $0x4  }
0x1ff: {  	v46 =	vshll.u32 v3, $0x1  }
0x200: {  	v3 =	vand.u32 $0x7, v3;
	v4 =	vand.u32 $0xFFFFFFF0, v46  }
0x201: {  	v3 =	vor.u32 v3, v4  }
0x202: {  	v4 =	vperm.xlane v3, v0;
	_ =	sdelay $0x1  }
0x203: {  	v3 =	vperm.xlane v3, v2;
	v4 =	vadd.s32 v1, v4;
	_ =	sdelay $0x1  }
0x204: {  	v3 =	vadd.s32 v1, v3;
	_ =	sdelay $0x2  }
0x205: {  	[hbm4b:s1+s2] =	stream.indirect_vreg.scatter [tilespmem:s23], [sflag:$0x1], $0x80, v4, vm0, $0xb8;
	[tilespmem:$0x8400] =	vst v63  }
0x206: {  	_ = 	snop  }
0x207: {  	[hbm4b:s1+s2] =	stream.indirect_vreg.scatter [tilespmem:s24], [sflag:$0x1], $0x80, v3, vm0, $0xb8;
	[tilespmem:$0x8400] =	vst v63  }
0x208: {  	v3 =	vld [tilespmem:$0x170];
	_ =	sdelay $0x4  }
0x209: {  	v47 =	vshll.u32 v3, $0x1  }
0x20a: {  	v3 =	vand.u32 $0x7, v3;
	v4 =	vand.u32 $0xFFFFFFF0, v47  }
0x20b: {  	v3 =	vor.u32 v3, v4  }
0x20c: {  	v4 =	vperm.xlane v3, v0;
	_ =	sdelay $0x1  }
0x20d: {  	v3 =	vperm.xlane v3, v2;
	v4 =	vadd.s32 v1, v4;
	_ =	sdelay $0x1  }
0x20e: {  	v3 =	vadd.s32 v1, v3;
	_ =	sdelay $0x2  }
0x20f: {  	[hbm4b:s1+s2] =	stream.indirect_vreg.scatter [tilespmem:s25], [sflag:$0x1], $0x80, v4, vm0, $0xb8;
	[tilespmem:$0x8400] =	vst v63  }
0x210: {  	_ = 	snop  }
0x211: {  	[hbm4b:s1+s2] =	stream.indirect_vreg.scatter [tilespmem:s26], [sflag:$0x1], $0x80, v3, vm0, $0xb8;
	[tilespmem:$0x8400] =	vst v63  }
0x212: {  	_ =	swait.ge [sflag:s10], $0x8000  }
0x213: {  	[sflag:s10] =	ssyncset.done $0x0  }
0x214: {  	[sflag:s10] =	ssyncadd.s32 $0xFFFF8000  }
0x215: {  	[tilespmem:s0], [sflag:$0x1] =	stream.indirect.gather [hbm4b:s5+s8], $0x1, s31, s8, $0xb8;
	[tilespmem:$0x8400] =	vst v63  }
0x216: {  	_ =	swait.ge [sflag:s10], $0x80  }
0x217: {  	[sflag:s10] =	ssyncset.done $0x0  }
0x218: {  	[sflag:s10] =	ssyncadd.s32 $0xFFFFFF80  }
0x219: {  	v3 =	vld [tilespmem:$0x380];
	_ =	sdelay $0x4  }
0x21a: {  	v48 =	vshll.u32 v3, $0x1  }
0x21b: {  	v3 =	vand.u32 $0x7, v3;
	v4 =	vand.u32 $0xFFFFFFF0, v48  }
0x21c: {  	v3 =	vor.u32 v3, v4  }
0x21d: {  	v4 =	vperm.xlane v3, v0;
	_ =	sdelay $0x1  }
0x21e: {  	v3 =	vperm.xlane v3, v2;
	v4 =	vadd.s32 v1, v4;
	_ =	sdelay $0x1  }
0x21f: {  	v3 =	vadd.s32 v1, v3;
	_ =	sdelay $0x2  }
0x220: {  	[tilespmem:s11], [sflag:$0x1] =	stream.indirect_vreg.gather [hbm4b:s4+s2], $0x80, v4, vm0, $0xb8;
	[tilespmem:$0x8400] =	vst v63  }
0x221: {  	_ = 	snop  }
0x222: {  	[tilespmem:s12], [sflag:$0x1] =	stream.indirect_vreg.gather [hbm4b:s4+s2], $0x80, v3, vm0, $0xb8;
	[tilespmem:$0x8400] =	vst v63  }
0x223: {  	v3 =	vld [tilespmem:$0x390];
	_ =	sdelay $0x4  }
0x224: {  	v49 =	vshll.u32 v3, $0x1  }
0x225: {  	v3 =	vand.u32 $0x7, v3;
	v4 =	vand.u32 $0xFFFFFFF0, v49  }
0x226: {  	v3 =	vor.u32 v3, v4  }
0x227: {  	v4 =	vperm.xlane v3, v0;
	_ =	sdelay $0x1  }
0x228: {  	v3 =	vperm.xlane v3, v2;
	v4 =	vadd.s32 v1, v4;
	_ =	sdelay $0x1  }
0x229: {  	v3 =	vadd.s32 v1, v3;
	_ =	sdelay $0x2  }
0x22a: {  	[tilespmem:s13], [sflag:$0x1] =	stream.indirect_vreg.gather [hbm4b:s4+s2], $0x80, v4, vm0, $0xb8;
	[tilespmem:$0x8400] =	vst v63  }
0x22b: {  	_ = 	snop  }
0x22c: {  	[tilespmem:s14], [sflag:$0x1] =	stream.indirect_vreg.gather [hbm4b:s4+s2], $0x80, v3, vm0, $0xb8;
	[tilespmem:$0x8400] =	vst v63  }
0x22d: {  	v3 =	vld [tilespmem:$0x3A0];
	_ =	sdelay $0x4  }
0x22e: {  	v50 =	vshll.u32 v3, $0x1  }
0x22f: {  	v3 =	vand.u32 $0x7, v3;
	v4 =	vand.u32 $0xFFFFFFF0, v50  }
0x230: {  	v3 =	vor.u32 v3, v4  }
0x231: {  	v4 =	vperm.xlane v3, v0;
	_ =	sdelay $0x1  }
0x232: {  	v3 =	vperm.xlane v3, v2;
	v4 =	vadd.s32 v1, v4;
	_ =	sdelay $0x1  }
0x233: {  	v3 =	vadd.s32 v1, v3;
	_ =	sdelay $0x2  }
0x234: {  	[tilespmem:s15], [sflag:$0x1] =	stream.indirect_vreg.gather [hbm4b:s4+s2], $0x80, v4, vm0, $0xb8;
	[tilespmem:$0x8400] =	vst v63  }
0x235: {  	_ = 	snop  }
0x236: {  	[tilespmem:s16], [sflag:$0x1] =	stream.indirect_vreg.gather [hbm4b:s4+s2], $0x80, v3, vm0, $0xb8;
	[tilespmem:$0x8400] =	vst v63  }
0x237: {  	v3 =	vld [tilespmem:$0x3B0];
	_ =	sdelay $0x4  }
0x238: {  	v51 =	vshll.u32 v3, $0x1  }
0x239: {  	v3 =	vand.u32 $0x7, v3;
	v4 =	vand.u32 $0xFFFFFFF0, v51  }
0x23a: {  	v3 =	vor.u32 v3, v4  }
0x23b: {  	v4 =	vperm.xlane v3, v0;
	_ =	sdelay $0x1  }
0x23c: {  	v3 =	vperm.xlane v3, v2;
	v4 =	vadd.s32 v1, v4;
	_ =	sdelay $0x1  }
0x23d: {  	v3 =	vadd.s32 v1, v3;
	_ =	sdelay $0x2  }
0x23e: {  	[tilespmem:s17], [sflag:$0x1] =	stream.indirect_vreg.gather [hbm4b:s4+s2], $0x80, v4, vm0, $0xb8;
	[tilespmem:$0x8400] =	vst v63  }
0x23f: {  	_ = 	snop  }
0x240: {  	[tilespmem:s18], [sflag:$0x1] =	stream.indirect_vreg.gather [hbm4b:s4+s2], $0x80, v3, vm0, $0xb8;
	[tilespmem:$0x8400] =	vst v63  }
0x241: {  	v3 =	vld [tilespmem:$0x3C0];
	_ =	sdelay $0x4  }
0x242: {  	v52 =	vshll.u32 v3, $0x1  }
0x243: {  	v3 =	vand.u32 $0x7, v3;
	v4 =	vand.u32 $0xFFFFFFF0, v52  }
0x244: {  	v3 =	vor.u32 v3, v4  }
0x245: {  	v4 =	vperm.xlane v3, v0;
	_ =	sdelay $0x1  }
0x246: {  	v3 =	vperm.xlane v3, v2;
	v4 =	vadd.s32 v1, v4;
	_ =	sdelay $0x1  }
0x247: {  	v3 =	vadd.s32 v1, v3;
	_ =	sdelay $0x2  }
0x248: {  	[tilespmem:s19], [sflag:$0x1] =	stream.indirect_vreg.gather [hbm4b:s4+s2], $0x80, v4, vm0, $0xb8;
	[tilespmem:$0x8400] =	vst v63  }
0x249: {  	_ = 	snop  }
0x24a: {  	[tilespmem:s20], [sflag:$0x1] =	stream.indirect_vreg.gather [hbm4b:s4+s2], $0x80, v3, vm0, $0xb8;
	[tilespmem:$0x8400] =	vst v63  }
0x24b: {  	v3 =	vld [tilespmem:$0x3D0];
	_ =	sdelay $0x4  }
0x24c: {  	v53 =	vshll.u32 v3, $0x1  }
0x24d: {  	v3 =	vand.u32 $0x7, v3;
	v4 =	vand.u32 $0xFFFFFFF0, v53  }
0x24e: {  	v3 =	vor.u32 v3, v4  }
0x24f: {  	v4 =	vperm.xlane v3, v0;
	_ =	sdelay $0x1  }
0x250: {  	v3 =	vperm.xlane v3, v2;
	v4 =	vadd.s32 v1, v4;
	_ =	sdelay $0x1  }
0x251: {  	v3 =	vadd.s32 v1, v3;
	_ =	sdelay $0x2  }
0x252: {  	[tilespmem:s21], [sflag:$0x1] =	stream.indirect_vreg.gather [hbm4b:s4+s2], $0x80, v4, vm0, $0xb8;
	[tilespmem:$0x8400] =	vst v63  }
0x253: {  	_ = 	snop  }
0x254: {  	[tilespmem:s22], [sflag:$0x1] =	stream.indirect_vreg.gather [hbm4b:s4+s2], $0x80, v3, vm0, $0xb8;
	[tilespmem:$0x8400] =	vst v63  }
0x255: {  	v3 =	vld [tilespmem:$0x3E0];
	_ =	sdelay $0x4  }
0x256: {  	v54 =	vshll.u32 v3, $0x1  }
0x257: {  	v3 =	vand.u32 $0x7, v3;
	v4 =	vand.u32 $0xFFFFFFF0, v54  }
0x258: {  	v3 =	vor.u32 v3, v4  }
0x259: {  	v4 =	vperm.xlane v3, v0;
	_ =	sdelay $0x1  }
0x25a: {  	v3 =	vperm.xlane v3, v2;
	v4 =	vadd.s32 v1, v4;
	_ =	sdelay $0x1  }
0x25b: {  	v3 =	vadd.s32 v1, v3;
	_ =	sdelay $0x2  }
0x25c: {  	[tilespmem:s23], [sflag:$0x1] =	stream.indirect_vreg.gather [hbm4b:s4+s2], $0x80, v4, vm0, $0xb8;
	[tilespmem:$0x8400] =	vst v63  }
0x25d: {  	_ = 	snop  }
0x25e: {  	[tilespmem:s24], [sflag:$0x1] =	stream.indirect_vreg.gather [hbm4b:s4+s2], $0x80, v3, vm0, $0xb8;
	[tilespmem:$0x8400] =	vst v63  }
0x25f: {  	v3 =	vld [tilespmem:$0x3F0];
	_ =	sdelay $0x4  }
0x260: {  	v55 =	vshll.u32 v3, $0x1  }
0x261: {  	v3 =	vand.u32 $0x7, v3;
	v4 =	vand.u32 $0xFFFFFFF0, v55  }
0x262: {  	v3 =	vor.u32 v3, v4  }
0x263: {  	v4 =	vperm.xlane v3, v0;
	_ =	sdelay $0x1  }
0x264: {  	v3 =	vperm.xlane v3, v2;
	v4 =	vadd.s32 v1, v4;
	_ =	sdelay $0x1  }
0x265: {  	v3 =	vadd.s32 v1, v3;
	_ =	sdelay $0x2  }
0x266: {  	[tilespmem:s25], [sflag:$0x1] =	stream.indirect_vreg.gather [hbm4b:s4+s2], $0x80, v4, vm0, $0xb8;
	[tilespmem:$0x8400] =	vst v63  }
0x267: {  	_ = 	snop  }
0x268: {  	[tilespmem:s26], [sflag:$0x1] =	stream.indirect_vreg.gather [hbm4b:s4+s2], $0x80, v3, vm0, $0xb8;
	[tilespmem:$0x8400] =	vst v63  }
0x269: {  	_ =	swait.ge [sflag:s10], $0x8000  }
0x26a: {  	[sflag:s10] =	ssyncset.done $0x0  }
0x26b: {  	[sflag:s10] =	ssyncadd.s32 $0xFFFF8000  }
0x26c: {  	v3 =	vld [tilespmem:$0x180];
	_ =	sdelay $0x4  }
0x26d: {  	v56 =	vshll.u32 v3, $0x1  }
0x26e: {  	v3 =	vand.u32 $0x7, v3;
	v4 =	vand.u32 $0xFFFFFFF0, v56  }
0x26f: {  	v3 =	vor.u32 v3, v4  }
0x270: {  	v4 =	vperm.xlane v3, v0;
	_ =	sdelay $0x1  }
0x271: {  	v3 =	vperm.xlane v3, v2;
	v4 =	vadd.s32 v1, v4;
	_ =	sdelay $0x1  }
0x272: {  	v3 =	vadd.s32 v1, v3;
	_ =	sdelay $0x2  }
0x273: {  	[hbm4b:s1+s2] =	stream.indirect_vreg.scatter [tilespmem:s11], [sflag:$0x1], $0x80, v4, vm0, $0xb8;
	[tilespmem:$0x8400] =	vst v63  }
0x274: {  	_ = 	snop  }
0x275: {  	[hbm4b:s1+s2] =	stream.indirect_vreg.scatter [tilespmem:s12], [sflag:$0x1], $0x80, v3, vm0, $0xb8;
	[tilespmem:$0x8400] =	vst v63  }
0x276: {  	v3 =	vld [tilespmem:$0x190];
	_ =	sdelay $0x4  }
0x277: {  	v57 =	vshll.u32 v3, $0x1  }
0x278: {  	v3 =	vand.u32 $0x7, v3;
	v4 =	vand.u32 $0xFFFFFFF0, v57  }
0x279: {  	v3 =	vor.u32 v3, v4  }
0x27a: {  	v4 =	vperm.xlane v3, v0;
	_ =	sdelay $0x1  }
0x27b: {  	v3 =	vperm.xlane v3, v2;
	v4 =	vadd.s32 v1, v4;
	_ =	sdelay $0x1  }
0x27c: {  	v3 =	vadd.s32 v1, v3;
	_ =	sdelay $0x2  }
0x27d: {  	[hbm4b:s1+s2] =	stream.indirect_vreg.scatter [tilespmem:s13], [sflag:$0x1], $0x80, v4, vm0, $0xb8;
	[tilespmem:$0x8400] =	vst v63  }
0x27e: {  	_ = 	snop  }
0x27f: {  	[hbm4b:s1+s2] =	stream.indirect_vreg.scatter [tilespmem:s14], [sflag:$0x1], $0x80, v3, vm0, $0xb8;
	[tilespmem:$0x8400] =	vst v63  }
0x280: {  	v3 =	vld [tilespmem:$0x1A0];
	_ =	sdelay $0x4  }
0x281: {  	v58 =	vshll.u32 v3, $0x1  }
0x282: {  	v3 =	vand.u32 $0x7, v3;
	v4 =	vand.u32 $0xFFFFFFF0, v58  }
0x283: {  	v3 =	vor.u32 v3, v4  }
0x284: {  	v4 =	vperm.xlane v3, v0;
	_ =	sdelay $0x1  }
0x285: {  	v3 =	vperm.xlane v3, v2;
	v4 =	vadd.s32 v1, v4;
	_ =	sdelay $0x1  }
0x286: {  	v3 =	vadd.s32 v1, v3;
	_ =	sdelay $0x2  }
0x287: {  	[hbm4b:s1+s2] =	stream.indirect_vreg.scatter [tilespmem:s15], [sflag:$0x1], $0x80, v4, vm0, $0xb8;
	[tilespmem:$0x8400] =	vst v63  }
0x288: {  	_ = 	snop  }
0x289: {  	[hbm4b:s1+s2] =	stream.indirect_vreg.scatter [tilespmem:s16], [sflag:$0x1], $0x80, v3, vm0, $0xb8;
	[tilespmem:$0x8400] =	vst v63  }
0x28a: {  	v3 =	vld [tilespmem:$0x1B0];
	_ =	sdelay $0x4  }
0x28b: {  	v59 =	vshll.u32 v3, $0x1  }
0x28c: {  	v3 =	vand.u32 $0x7, v3;
	v4 =	vand.u32 $0xFFFFFFF0, v59  }
0x28d: {  	v3 =	vor.u32 v3, v4  }
0x28e: {  	v4 =	vperm.xlane v3, v0;
	_ =	sdelay $0x1  }
0x28f: {  	v3 =	vperm.xlane v3, v2;
	v4 =	vadd.s32 v1, v4;
	_ =	sdelay $0x1  }
0x290: {  	v3 =	vadd.s32 v1, v3;
	_ =	sdelay $0x2  }
0x291: {  	[hbm4b:s1+s2] =	stream.indirect_vreg.scatter [tilespmem:s17], [sflag:$0x1], $0x80, v4, vm0, $0xb8;
	[tilespmem:$0x8400] =	vst v63  }
0x292: {  	_ = 	snop  }
0x293: {  	[hbm4b:s1+s2] =	stream.indirect_vreg.scatter [tilespmem:s18], [sflag:$0x1], $0x80, v3, vm0, $0xb8;
	[tilespmem:$0x8400] =	vst v63  }
0x294: {  	v3 =	vld [tilespmem:$0x1C0];
	_ =	sdelay $0x4  }
0x295: {  	v60 =	vshll.u32 v3, $0x1  }
0x296: {  	v3 =	vand.u32 $0x7, v3;
	v4 =	vand.u32 $0xFFFFFFF0, v60  }
0x297: {  	v3 =	vor.u32 v3, v4  }
0x298: {  	v4 =	vperm.xlane v3, v0;
	_ =	sdelay $0x1  }
0x299: {  	v3 =	vperm.xlane v3, v2;
	v4 =	vadd.s32 v1, v4;
	_ =	sdelay $0x1  }
0x29a: {  	v3 =	vadd.s32 v1, v3;
	_ =	sdelay $0x2  }
0x29b: {  	[hbm4b:s1+s2] =	stream.indirect_vreg.scatter [tilespmem:s19], [sflag:$0x1], $0x80, v4, vm0, $0xb8;
	[tilespmem:$0x8400] =	vst v63  }
0x29c: {  	_ = 	snop  }
0x29d: {  	[hbm4b:s1+s2] =	stream.indirect_vreg.scatter [tilespmem:s20], [sflag:$0x1], $0x80, v3, vm0, $0xb8;
	[tilespmem:$0x8400] =	vst v63  }
0x29e: {  	v3 =	vld [tilespmem:$0x1D0];
	_ =	sdelay $0x4  }
0x29f: {  	v61 =	vshll.u32 v3, $0x1  }
0x2a0: {  	v3 =	vand.u32 $0x7, v3;
	v4 =	vand.u32 $0xFFFFFFF0, v61  }
0x2a1: {  	v3 =	vor.u32 v3, v4  }
0x2a2: {  	v4 =	vperm.xlane v3, v0;
	_ =	sdelay $0x1  }
0x2a3: {  	v3 =	vperm.xlane v3, v2;
	v4 =	vadd.s32 v1, v4;
	_ =	sdelay $0x1  }
0x2a4: {  	v3 =	vadd.s32 v1, v3;
	_ =	sdelay $0x2  }
0x2a5: {  	[hbm4b:s1+s2] =	stream.indirect_vreg.scatter [tilespmem:s21], [sflag:$0x1], $0x80, v4, vm0, $0xb8;
	[tilespmem:$0x8400] =	vst v63  }
0x2a6: {  	_ = 	snop  }
0x2a7: {  	[hbm4b:s1+s2] =	stream.indirect_vreg.scatter [tilespmem:s22], [sflag:$0x1], $0x80, v3, vm0, $0xb8;
	[tilespmem:$0x8400] =	vst v63  }
0x2a8: {  	v3 =	vld [tilespmem:$0x1E0];
	_ =	sdelay $0x4  }
0x2a9: {  	v62 =	vshll.u32 v3, $0x1  }
0x2aa: {  	v3 =	vand.u32 $0x7, v3;
	v4 =	vand.u32 $0xFFFFFFF0, v62  }
0x2ab: {  	v3 =	vor.u32 v3, v4  }
0x2ac: {  	v4 =	vperm.xlane v3, v0;
	_ =	sdelay $0x1  }
0x2ad: {  	v3 =	vperm.xlane v3, v2;
	v4 =	vadd.s32 v1, v4;
	_ =	sdelay $0x1  }
0x2ae: {  	v3 =	vadd.s32 v1, v3;
	_ =	sdelay $0x2  }
0x2af: {  	[hbm4b:s1+s2] =	stream.indirect_vreg.scatter [tilespmem:s23], [sflag:$0x1], $0x80, v4, vm0, $0xb8;
	[tilespmem:$0x8400] =	vst v63  }
0x2b0: {  	_ = 	snop  }
0x2b1: {  	[hbm4b:s1+s2] =	stream.indirect_vreg.scatter [tilespmem:s24], [sflag:$0x1], $0x80, v3, vm0, $0xb8;
	[tilespmem:$0x8400] =	vst v63  }
0x2b2: {  	v3 =	vld [tilespmem:$0x1F0];
	_ =	sdelay $0x4  }
0x2b3: {  	v63 =	vshll.u32 v3, $0x1  }
0x2b4: {  	v3 =	vand.u32 $0x7, v3;
	v4 =	vand.u32 $0xFFFFFFF0, v63  }
0x2b5: {  	v3 =	vor.u32 v3, v4  }
0x2b6: {  	v4 =	vperm.xlane v3, v0;
	_ =	sdelay $0x1  }
0x2b7: {  	v3 =	vperm.xlane v3, v2;
	v4 =	vadd.s32 v1, v4;
	_ =	sdelay $0x1  }
0x2b8: {  	v3 =	vadd.s32 v1, v3;
	_ =	sdelay $0x1  }
0x2b9: {  	p0 =	sne.s32 s6, $0x1  }
0x2ba: {  	[hbm4b:s1+s2] =	stream.indirect_vreg.scatter [tilespmem:s25], [sflag:$0x1], $0x80, v4, vm0, $0xb8;
	[tilespmem:$0x8400] =	vst v63  }
.Ltmp0:
0x2bb: {  	_ = 	snop;
	(pc) =	sbr.rel @p0 .LBB2_1-.Ltmp0, $4  }
0x2bc: {  	[hbm4b:s1+s2] =	stream.indirect_vreg.scatter [tilespmem:s26], [sflag:$0x1], $0x80, v3, vm0, $0xb8;
	[tilespmem:$0x8400] =	vst v63  }
0x2bd: {  	_ =	swait.ge [sflag:s10], $0x8000  }
0x2be: {  	[sflag:s10] =	ssyncset.done $0x0  }
0x2bf: {  	s6 =	sadd.s32 $0xFFFFFFFF, s6;
	[sflag:s10] =	ssyncadd.s32 $0xFFFF8000  }
0x2c0: {  	_ =	sfence.sel $0x180000  }
0x2c1: {  	[bflag:$0x0] =	sbarrier.arrive $0xFFFF  }
0x2c2: {  	_ =	strace $0x9000004A  }
0x2c3: {  	s0 =	stileid.u32;
	[bflag:$0x2] =	sbarrier.arrive $0xFFFF  }
0x2c4: {  	p0 =	sne.s32 s0, $0x0;
	s0 =	rddreg [dreg:$0x3]  }
0x2c5: {  	s0 =	sadd.s32 @!p0 $0x100000, s0  }
0x2c6: {  	[sflag:s0] =	ssyncadd.tile.s32 @!p0 $0x1;
	_ =	shalt  }
.Lfunc_end2:
_tile_overlayer_lowered:
.L_overlay_start_2:
0x2c7: {  	(tag) =	ssettag $0x2  }
0x2c8: {  	s0 =	rddreg [dreg:$0x0];
	s2 =	stileid.u32  }
0x2c9: {  	s1 =	rddreg [dreg:$0x1];
	p0 =	sne.s32 s2, $0x0  }
0x2ca: {  	s3 =	rddreg [dreg:$0x2];
	[bflag:$0x3] =	sbarrier.arrive $0xFFFF;
	s2 =	simm.s32 @!p0 $0x1C02  }
0x2cb: {  	[timem:s3], [sflag:s2] =	dma.local @!p0 [hbm:s0], s1  }
0x2cc: {  	s0 =	simm.s32 @!p0 $0x2  }
0x2cd: {  	_ =	swait.ge @!p0 [sflag:s0], s1  }
0x2ce: {  	s1 =	ssub.s32 @!p0 $0x0, s1;
	[sflag:s0] =	ssyncset.done @!p0 $0x0  }
0x2cf: {  	[sflag:s0] =	ssyncadd.s32 @!p0 s1  }
0x2d0: {  	[bflag:$0x3] =	sbarrier.arrive $0xFFFF  }
0x2d1: {  	_ =	shalt  }

// kernel: sparse-core-data-format-call.cloned.1.call-start
scs
called_computation_lowered:
.L_overlay_start_0:
0x0: {  	s2 =	sld [smem:$0x3FD9]  }
0x1: {  	s3 =	sld [smem:$0x3FFE];
	_ =	sdelay $0x1  }
0x2: {  	s1 =	srdreg.scid  }
0x3: {  	s0 =	sand.u32 $0x1, s1  }
0x4: {  	s18 =	sshll.u32 s0, $0xA;
	s2 =	sadd.s32 s3, s2  }
0x5: {  	s2 =	sadd.s32 s2, s18  }
0x6: {  	[smem:$0x3FC5] =	sst s2  }
0x7: {  	_ = 	snop  }
0x8: {  	s2 =	sld [smem:$0x3FD0];
	(tm) =	ssettm $0x1  }
0x9: {  	s19 =	sld [smem:$0x3FFB];
	_ =	sdelay $0x3  }
0xa: {  	_ =	strace s19  }
0xb: {  	s3 =	sld [smem:$0x3FFC];
	_ =	sdelay $0x3  }
0xc: {  	_ =	strace s3  }
0xd: {  	s3 =	sld [smem:$0x3FFD];
	_ =	sdelay $0x3  }
0xe: {  	_ =	strace s3  }
0xf: {  	_ =	strace $0x8FFFFFFF  }
0x10: {  	s20 =	sld [smem:$0x3FDB];
	_ =	sdelay $0x1  }
0x11: {  	s4 =	simm.s32 $_scs_section_size  }
0x12: {  	s5 =	simm.s32 $_size__tile_overlayer_lowered;
	s6 =	simm.s32 $_tile_overlayer_lowered  }
0x13: {  	s23 =	simm.s32 $0x1BFF;
	s22 =	sshll.u32 s6, $0x1;
	s3 =	sadd.s32 s4, s20  }
0x14: {  	s7 =	simm.s32 $0x0;
	s21 =	sshll.u32 s5, $0x1;
	s5 =	sadd.s32 s22, s3  }
0x15: {  	[timem:s7], [sflag:s23] =	dma.local [hbm:s5], s21  }
0x16: {  	_ =	swait.ge [sflag:s23], s21  }
0x17: {  	s4 =	ssub.s32 $0x0, s21;
	[sflag:s23] =	ssyncset.done $0x0  }
0x18: {  	[sflag:s23] =	ssyncadd.s32 s4;
	_ =	sdelay $0x1  }
0x19: {  	s24 =	simm.s32 $0x1B8B  }
0x1a: {  	_ =	swait.ge [sflag:s24], $0x1  }
0x1b: {  	[sflag:s24] =	ssyncset.done $0x0  }
0x1c: {  	s26 =	simm.s32 $0x1B8E;
	s25 =	sld [smem:$0x3FFE];
	[sflag:s24] =	ssyncadd.s32 $0xFFFFFFFF  }
0x1d: {  	s27 =	simm.s32 $execute0_lowered;
	[smem:$0x3FD2] =	sst s26  }
0x1e: {  	s5 =	sshll.u32 s27, $0x1;
	_ =	strace $0x8000004C;
	[dreg:$0x1] =	wrdreg $0xFFFFFFFF  }
0x1f: {  	s28 =	simm.s32 $_size_execute0_lowered;
	s3 =	sadd.s32 s3, s5;
	[dreg:$0x0] =	wrdreg $0x0  }
0x20: {  	s5 =	sshll.u32 s28, $0x1;
	[dreg:$0x2] =	wrdreg s3  }
0x21: {  	[dreg:$0x3] =	wrdreg s5  }
0x22: {  	[dreg:$0x4] =	wrdreg $0xC0  }
0x23: {  	_ =	task [dreg:s7], $0x5FFFF  }
0x24: {  	[dreg:$0x1] =	wrdreg $0xFFFFFFFF  }
0x25: {  	[dreg:$0x0] =	wrdreg $0x60  }
0x26: {  	[dreg:$0x2] =	wrdreg s25  }
0x27: {  	[dreg:$0x3] =	wrdreg s2  }
0x28: {  	[dreg:$0x4] =	wrdreg $0x9  }
0x29: {  	_ =	task.clear_ibuf [dreg:s7], $0x5FFFF;
	_ =	strace $0x9000004C  }
0x2a: {  	s29 =	simm.s32 $0x9;
	_ =	strace $0x8000004E  }
0x2b: {  	_ =	swait.ge [sflag:s29], $0x1  }
0x2c: {  	[sflag:s29] =	ssyncadd.s32 $0xFFFFFFFF  }
0x2d: {  	_ =	strace $0x9000004E  }
0x2e: {  	_ =	sfence  }
0x2f: {  	s30 =	sld [smem:$0x0];
	_ =	sdelay $0x2  }
0x30: {  	s31 =	sshll.u32 s1, $0xD;
	s1 =	sshrl.u32 s1, $0x2  }
0x31: {  	s3 =	sand.u32 $0x4000, s31;
	s1 =	sadd.s32 s1, s30  }
0x32: {  	s0 =	sor.u32 s3, s0;
	s1 =	sshll.u32 s1, $0x11  }
0x33: {  	s0 =	sor.u32 s1, s0  }
0x34: {  	s0 =	sadd.s32 $0x8F2B, s0  }
0x35: {  	[sflag:s0] =	ssyncadd.remote.s32 $0x1  }
0x36: {  	_ =	sfence.sel $0xFFFF  }
0x37: {  	[dreg:$0x0] =	wrdreg $0xFFFFFFFF;
	(pc) =	sbr.abs _section_cstart, $3  }
0x38: {  	[dreg:$0x1] =	wrdreg $0xFFFFFFFF  }
0x39: {  	_ =	task.clear_ibuf [dreg:s7], $0x2FFFF;
	_ =	strace $0x9FFFFFFF  }
0x3a: {  	(tm) =	ssettm $0x7FFFFFFF  }
0x3b: {  	_ =	shalt  }
tec
execute0_lowered:
.L_overlay_start_1:
0x0: {  	(tag) =	ssettag $0x1  }
0x1: {  	s1 =	rddreg [dreg:$0x0]  }
0x2: {  	s2 =	rddreg [dreg:$0x1]  }
0x3: {  	s0 =	rddreg [dreg:$0x2]  }
0x4: {  	_ =	strace $0x8000004D;
	s4 =	srdreg.scid;
	s6 =	simm.s32 $0x2  }
0x5: {  	s11 =	simm.s32 $0x0;
	p0 =	por $0x0, $0x0;
	s7 =	simm.s32 $0x10000  }
.Ltmp0:
0x6: {  	s12 =	simm.s32 $0x0;
	s9 =	simm.s32 $0x0;
	(pc) =	sbr.rel .LBB1_1-.Ltmp0, $4  }
0x7: {  	s8 =	simm.s32 $0x0;
	s3 =	sadd.s32 $0x1400, s1;
	s5 =	sshll.u32 s4, $0x4  }
0x8: {  	s1 =	stileid.u32;
	s4 =	simm.s32 $0x1;
	s5 =	sand.u32 $0x10, s5  }
0x9: {  	s18 =	simm.s32 $0x0;
	[sflag:s4] =	ssyncpa.u1 $0x0;
	s5 =	sor.u32 s1, s5  }
0xa: {  	[sflag:s6] =	ssyncpa.u1 $0x0;
	s6 =	simm.s32 $0x800;
	s10 =	smov.u32 s5  }
.LBB1_7:
0xb: {  	s13 =	sadd.s32 $0x8, s9  }
0xc: {  	s11 =	sadd.s32 $0x20, s10;
	s15 =	smov.u32 s10;
	p2 =	sgt.s32 s13, $0xFF  }
0xd: {  	p1 =	slt.u32 s8, $0x2;
	s15 =	smov.u32 @p2 s11  }
0xe: {  	s8 =	sadd.s32 $0x1, s8;
	s13 =	simm.s32 @p2 $0x0;
	p2 =	sgt.s32 s15, $0x1F  }
0xf: {  	s15 =	smov.u32 @p2 s5;
	p2 =	sne.s32 s8, $0x22  }
.Ltmp1:
0x10: {  	_ = 	snop;
	(pc) =	sbr.rel @!p2 .LBB1_8-.Ltmp1, $4  }
0x11: {  	s14 =	simm.s32 @!p1 $0x2  }
0x12: {  	s12 =	smov.u32 s10;
	_ =	swait.ge @!p1 [sflag:s14], $0x4000  }
0x13: {  	p0 =	por !p0, !p0;
	s11 =	smov.u32 s9;
	[sflag:s14] =	ssyncset.done @!p1 $0x0  }
0x14: {  	s9 =	smov.u32 s13;
	[sflag:s14] =	ssyncadd.s32 @!p1 $0xFFFFC000;
	s10 =	smov.u32 s15  }
.LBB1_1:
0x15: {  	p1 =	sgt.u32 s8, $0x1F  }
0x16: {  	s13 =	sxor.u32 @!p1 $0xFFFFFFFF, s8;
	s14 =	sshll.u32 @!p1 s10, $0x10  }
0x17: {  	s15 =	sshll.u32 @!p1 s9, $0x8;
	s13 =	sshll.u32 @!p1 s13, $0xE;
	s14 =	sadd.s32 @!p1 s3, s14  }
0x18: {  	s13 =	sand.u32 @!p1 $0x4000, s13;
	s14 =	sadd.s32 @!p1 s15, s14;
	s15 =	simm.s32 @!p1 $0x0  }
0x19: {  	[tilespmem:s13], [sflag:$0x1] =	stream.linear.gather @!p1 [hbm4b:s14+s15], $0x4000, $0x38;
	[tilespmem:$0x10000] =	vst v63  }
0x1a: {  	p1 =	seq.s32 s8, $0x0  }
0x1b: {  	p2 =	seq.s32 @!p1 s8, $0x21  }
0x1c: {  	p1 =	por p1, p2  }
.Ltmp2:
0x1d: {  	_ = 	snop;
	(pc) =	sbr.rel @p1 .LBB1_7-.Ltmp2, $1  }
0x1e: {  	_ =	sdelay $0x3  }
0x1f: {  	s13 =	simm.s32 $0x1  }
0x20: {  	_ =	swait.ge [sflag:s4], $0x4000;
	s31 =	sshll.u32 s8, $0xE;
	p1 =	por $0x0, $0x0  }
0x21: {  	s19 =	simm.s32 $0x0;
	s20 =	simm.s32 $0x0;
	s13 =	simm.s32 @!p0 $0x0  }
0x22: {  	[sflag:s4] =	ssyncset.done $0x0;
	s16 =	sand.u32 $0x4000, s31;
	s13 =	sshll.u32 s13, $0x10  }
0x23: {  	[sflag:s4] =	ssyncadd.s32 $0xFFFFC000;
	s17 =	sshrl.u32 s13, $0x2;
	s13 =	sor.u32 $0x8000, s16  }
0x24: {  	s14 =	sor.u32 $0x40, s17;
	s15 =	sor.u32 $0x8410, s17;
	s17 =	sadd.s32 $0x8400, s17  }
.LBB1_3:
0x25: {  	v1 =	vld [tilespmem:s14+$0xFFFFFFD0]  }
0x26: {  	v2 =	vld [tilespmem:s14+$0x430]  }
0x27: {  	s21 =	sshll.u32 s20, $0xB;
	v4 =	vld [tilespmem:s14+$0xFFFFFFE0]  }
0x28: {  	v7 =	vld [tilespmem:s14+$0xFFFFFFF0];
	v0 =	vmov s21  }
0x29: {  	v8 =	vld [tilespmem:s14+$0x0]  }
0x2a: {  	s30 =	sand.u32 $0x300, s18;
	v9 =	vld [tilespmem:s14+$0x10]  }
0x2b: {  	s22 =	sand.u32 $0x80, s18;
	v10 =	vld [tilespmem:s14+$0x20];
	s21 =	sadd.s32 s30, s16  }
0x2c: {  	v11 =	vld [tilespmem:s14+$0x30];
	s21 =	sadd.s32 s22, s21;
	s22 =	simm.s32 $0x1;
	[tilespmem:s15+$0x60] =	vst v2  }
0x2d: {  	s31 =	sshll.u32 s19, $0x2;
	s22 =	simm.s32 @!p1 $0x0;
	[tilespmem:s15+$0xFFFFFC00] =	vst v1;
	v3 =	vld.idx.msk [tilespmem:v0+s21+$0x400 ss:$0x1], $0xffff  }
0x2e: {  	v6 =	vld [tilespmem:s14+$0x3D0];
	s22 =	sshll.u32 s22, $0x9;
	[tilespmem:s15+$0xFFFFFC10] =	vst v4;
	s21 =	sand.u32 $0xFFFFFC00, s31  }
0x2f: {  	v5 =	vld [tilespmem:s14+$0x3E0];
	[tilespmem:s15+$0xFFFFFC20] =	vst v7;
	s21 =	sor.u32 s22, s21  }
0x30: {  	[tilespmem:s15+$0xFFFFFC30] =	vst v8;
	v4 =	vld [tilespmem:s14+$0x400];
	s21 =	sshrl.u32 s21, $0x2  }
0x31: {  	[tilespmem:s15+$0xFFFFFC40] =	vst v9;
	v1 =	vld [tilespmem:s14+$0x410];
	s21 =	sadd.s32 s21, s17  }
0x32: {  	[tilespmem:s21+$0x0] =	vst v3;
	v3 =	vld [tilespmem:s14+$0x3F0]  }
0x33: {  	s25 =	simm.s32 $0x80;
	s24 =	simm.s32 $0x100;
	[tilespmem:s15+$0xFFFFFC50] =	vst v10;
	v2 =	vld [tilespmem:s14+$0x420]  }
0x34: {  	s23 =	smov.u32 s15;
	s26 =	sand.u32 $0x300, s25;
	v7 =	vld [tilespmem:s14+$0xFFFFFFC0];
	[tilespmem:s15+$0xFFFFFC60] =	vst v11;
	s22 =	sadd.s32 $0x80, s14  }
.LBB1_4:
0x35: {  	p2 =	sne.s32 s24, $0x380;
	v8 =	vld [tilespmem:s22+$0xFFFFFFD0];
	s25 =	sand.u32 $0x80, s25;
	s26 =	sadd.s32 s26, s16;
	[tilespmem:s23+$0x0] =	vst v6  }
0x36: {  	s26 =	sadd.s32 s25, s26;
	v6 =	vld [tilespmem:s22+$0x430];
	[tilespmem:s23+$0x10] =	vst v5;
	s25 =	smov.u32 s24  }
0x37: {  	v5 =	vld.idx.msk [tilespmem:v0+s26+$0x400 ss:$0x1], $0xffff;
	[tilespmem:s23+$0x20] =	vst v3  }
0x38: {  	v3 =	vld [tilespmem:s22+$0xFFFFFFE0];
	[tilespmem:s23+$0x30] =	vst v4  }
0x39: {  	v4 =	vld [tilespmem:s22+$0xFFFFFFF0];
	[tilespmem:s23+$0xFFFFFBF0] =	vst v7  }
0x3a: {  	v7 =	vld [tilespmem:s22+$0x0];
	[tilespmem:s23+$0x40] =	vst v1  }
0x3b: {  	v1 =	vld [tilespmem:s22+$0x10];
	[tilespmem:s23+$0x50] =	vst v2;
	s23 =	sadd.s32 $0x800, s23  }
0x3c: {  	s21 =	sadd.s32 $0x800, s21;
	v2 =	vld [tilespmem:s22+$0x20];
	[tilespmem:s23+$0x60] =	vst v6  }
0x3d: {  	v9 =	vld [tilespmem:s22+$0x30];
	[tilespmem:s21+$0x0] =	vst v5  }
0x3e: {  	[tilespmem:s23+$0xFFFFFC00] =	vst v8;
	v6 =	vld [tilespmem:s22+$0x3D0]  }
0x3f: {  	[tilespmem:s23+$0xFFFFFC10] =	vst v3;
	v5 =	vld [tilespmem:s22+$0x3E0]  }
.Ltmp3:
0x40: {  	[tilespmem:s23+$0xFFFFFC20] =	vst v4;
	v3 =	vld [tilespmem:s22+$0x3F0];
	(pc) =	sbr.rel @p2 .LBB1_4-.Ltmp3, $4  }
0x41: {  	[tilespmem:s23+$0xFFFFFC30] =	vst v7;
	v4 =	vld [tilespmem:s22+$0x400]  }
0x42: {  	[tilespmem:s23+$0xFFFFFC40] =	vst v1;
	v1 =	vld [tilespmem:s22+$0x410]  }
0x43: {  	[tilespmem:s23+$0xFFFFFC50] =	vst v2;
	v2 =	vld [tilespmem:s22+$0x420]  }
0x44: {  	s24 =	sadd.s32 $0x80, s24;
	s26 =	sand.u32 $0x300, s25;
	v7 =	vld [tilespmem:s22+$0xFFFFFFC0];
	[tilespmem:s23+$0xFFFFFC60] =	vst v9;
	s22 =	sadd.s32 $0x80, s22  }
0x45: {  	[tilespmem:s23+$0x0] =	vst v6  }
0x46: {  	[tilespmem:s23+$0x10] =	vst v5  }
0x47: {  	v49 =	vld [tilespmem:s22+$0x430];
	[tilespmem:s23+$0x20] =	vst v3  }
0x48: {  	v50 =	vld [tilespmem:s22+$0xFFFFFFD0];
	[tilespmem:s23+$0x30] =	vst v4  }
0x49: {  	v51 =	vld [tilespmem:s22+$0xFFFFFFE0];
	[tilespmem:s23+$0x40] =	vst v1  }
0x4a: {  	v52 =	vld [tilespmem:s22+$0xFFFFFFF0];
	[tilespmem:s23+$0x50] =	vst v2  }
0x4b: {  	s31 =	sadd.s32 $0x800, s23;
	v53 =	vld [tilespmem:s22+$0x0];
	[tilespmem:s23+$0xFFFFFBF0] =	vst v7  }
0x4c: {  	v54 =	vld [tilespmem:s22+$0x10];
	[tilespmem:s31+$0x60] =	vst v49  }
0x4d: {  	v55 =	vld [tilespmem:s22+$0x20];
	[tilespmem:s31+$0xFFFFFC00] =	vst v50  }
0x4e: {  	v56 =	vld [tilespmem:s22+$0x30];
	[tilespmem:s31+$0xFFFFFC10] =	vst v51  }
0x4f: {  	v57 =	vld [tilespmem:s22+$0x3D0];
	[tilespmem:s31+$0xFFFFFC20] =	vst v52  }
0x50: {  	v58 =	vld [tilespmem:s22+$0x3E0];
	[tilespmem:s31+$0xFFFFFC30] =	vst v53  }
0x51: {  	v59 =	vld [tilespmem:s22+$0x3F0];
	[tilespmem:s31+$0xFFFFFC40] =	vst v54  }
0x52: {  	v60 =	vld [tilespmem:s22+$0x400];
	[tilespmem:s31+$0xFFFFFC50] =	vst v55  }
0x53: {  	v61 =	vld [tilespmem:s22+$0xFFFFFFC0];
	[tilespmem:s31+$0xFFFFFC60] =	vst v56  }
0x54: {  	s24 =	sand.u32 $0x80, s25;
	s30 =	sadd.s32 s26, s16;
	v62 =	vld [tilespmem:s22+$0x410];
	[tilespmem:s31+$0x0] =	vst v57  }
0x55: {  	v63 =	vld [tilespmem:s22+$0x420];
	s20 =	sadd.s32 $0x1, s20;
	s24 =	sadd.s32 s24, s30;
	[tilespmem:s31+$0x10] =	vst v58  }
0x56: {  	p2 =	sne.s32 s20, $0x8;
	v0 =	vld.idx.msk [tilespmem:v0+s24+$0x400 ss:$0x1], $0xffff;
	[tilespmem:s31+$0x20] =	vst v59  }
.Ltmp4:
0x57: {  	[tilespmem:s31+$0x30] =	vst v60;
	(pc) =	sbr.rel @p2 .LBB1_3-.Ltmp4, $4  }
0x58: {  	[tilespmem:s31+$0xFFFFFBF0] =	vst v61  }
0x59: {  	[tilespmem:s31+$0x40] =	vst v62  }
0x5a: {  	s21 =	sadd.s32 $0x800, s21;
	s14 =	sadd.s32 $0x800, s14;
	[tilespmem:s31+$0x50] =	vst v63  }
0x5b: {  	s19 =	sadd.s32 $0x80, s19;
	p1 =	por !p1, !p1;
	s15 =	sadd.s32 $0x80, s15;
	[tilespmem:s21+$0x0] =	vst v0  }
0x5c: {  	s14 =	sshll.u32 s11, $0x8;
	s31 =	sshll.u32 s11, $0x7  }
.Ltmp5:
0x5d: {  	s14 =	sand.u32 $0xF800, s14;
	s11 =	sand.u32 $0x380, s31;
	(pc) =	sbr.rel .LBB1_7-.Ltmp5, $4  }
0x5e: {  	s12 =	sshll.u32 s12, $0x10;
	s11 =	sor.u32 s11, s14  }
0x5f: {  	s12 =	sadd.s32 s2, s12;
	s11 =	sshrl.u32 s11, $0x3  }
0x60: {  	s11 =	sadd.s32 s11, s12  }
0x61: {  	[hbm4b:s11+s6] =	stream.strided.scatter [tilespmem:s13], [sflag:$0x2], $0x4000, s7, s6, $0x38;
	[tilespmem:$0x10000] =	vst v63  }
.LBB1_8:
0x62: {  	_ =	sfence.sel $0x180000  }
0x63: {  	s2 =	simm.s32 $0x1;
	[bflag:$0x0] =	sbarrier.arrive $0xFFFF  }
0x64: {  	s31 =	simm.s32 $0x2;
	[sflag:s2] =	ssyncpa.u1 $0x1  }
0x65: {  	[sflag:s31] =	ssyncpa.u1 $0x1  }
0x66: {  	p0 =	sne.s32 s1, $0x0;
	_ =	strace $0x9000004D  }
0x67: {  	s0 =	sadd.s32 @!p0 $0x100000, s0;
	[bflag:$0x2] =	sbarrier.arrive $0xFFFF  }
0x68: {  	[sflag:s0] =	ssyncadd.tile.s32 @!p0 $0x1;
	_ =	shalt  }
.Lfunc_end1:
_tile_overlayer_lowered:
.L_overlay_start_2:
0x69: {  	(tag) =	ssettag $0x2  }
0x6a: {  	s0 =	rddreg [dreg:$0x0];
	s2 =	stileid.u32  }
0x6b: {  	s1 =	rddreg [dreg:$0x1];
	p0 =	sne.s32 s2, $0x0  }
0x6c: {  	s3 =	rddreg [dreg:$0x2];
	[bflag:$0x3] =	sbarrier.arrive $0xFFFF;
	s2 =	simm.s32 @!p0 $0x1C01  }
0x6d: {  	[timem:s3], [sflag:s2] =	dma.local @!p0 [hbm:s0], s1  }
0x6e: {  	s0 =	simm.s32 @!p0 $0x1  }
0x6f: {  	_ =	swait.ge @!p0 [sflag:s0], s1  }
0x70: {  	s1 =	ssub.s32 @!p0 $0x0, s1;
	[sflag:s0] =	ssyncset.done @!p0 $0x0  }
0x71: {  	[sflag:s0] =	ssyncadd.s32 @!p0 s1  }
0x72: {  	[bflag:$0x3] =	sbarrier.arrive $0xFFFF  }
0x73: {  	_ =	shalt  }

</sc_bundles>
